<compile_context>
chip_gen: v7x
topology: tpu7x:2x2x1
jax: 0.10.2.dev20260603
libtpu: 0.0.44.dev20260713+nightly
codegen_flags: <defaults>
</compile_context>

<pallas_src>
import functools

import jax
import jax.numpy as jnp
from jax import lax
from jax.experimental import pallas as pl
from jax.experimental.pallas import tpu as pltpu
from jax.experimental.pallas import tpu_sc as plsc

N = 10000
E = 320000
D = 128
C = 16
NC = 2
NS = 16
NW = NC * NS
K = 128
G = 8
NB = 10
CH = NB * G
CHB = (NB + 1) * G
EW = CH * K
EP = EW * NW
EW1 = -(-E // (NW * K)) * K
EP1 = EW1 * NW
NCH0 = 100
NCH1 = 58
PCH0 = 94
PCH1 = 64
NP = 10016
RPT = NP // NS

_mesh = plsc.VectorSubcoreMesh(
    core_axis_name="c", subcore_axis_name="s", num_cores=NC, num_subcores=NS)



@functools.partial(
    pl.kernel,
    out_type=jax.ShapeDtypeStruct((NW, NP), jnp.float32),
    mesh=_mesh,
    scratch_types=[
        pltpu.VMEM((CHB, K), jnp.int32),
        pltpu.VMEM((NP,), jnp.float32),
    ],
    compiler_params=pltpu.CompilerParams(needs_layout_passes=False),
)
def _deg_kernel(dst_hbm, degp_hbm, dstl, degl):
    cid = lax.axis_index("c")
    sid = lax.axis_index("s")
    wid = cid * NS + sid
    zeros16 = jnp.zeros((16,), jnp.float32)
    ones16 = jnp.ones((16,), jnp.float32)

    pltpu.sync_copy(dst_hbm.at[wid], dstl)

    def zbody(i, carry):
        degl[pl.ds(i * 16, 16)] = zeros16
        return carry
    lax.fori_loop(0, NP // 16, zbody, 0)

    def chunk(ci, carry):
        for j in range(K // 16):
            idx = dstl[ci, pl.ds(j * 16, 16)]
            plsc.addupdate_scatter(degl, [idx], ones16)
        return carry
    lax.fori_loop(0, CH, chunk, 0)

    pltpu.sync_copy(degl, degp_hbm.at[wid])



def _make_agg(width, nch0, nch1):
    @functools.partial(
        pl.kernel,
        out_type=jax.ShapeDtypeStruct((NC, NP, width), jnp.float32),
        mesh=_mesh,
        scratch_types=[
            pltpu.VMEM((K,), jnp.int32),
            pltpu.VMEM((K,), jnp.int32),
            pltpu.VMEM((K, width), jnp.float32),
            pltpu.VMEM_SHARED((NP, width), jnp.float32),
            pltpu.SemaphoreType.DMA,
        ],
        compiler_params=pltpu.CompilerParams(use_tc_tiling_on_sc=False),
    )
    def _agg(g_hbm, src_hbm, dst_hbm, zeros_hbm, out_hbm,
             srcv, dstv, rows, acc, sem):
        cid = lax.axis_index("c")
        sid = lax.axis_index("s")
        wid = cid * NS + sid
        r0 = sid * RPT
        pltpu.sync_copy(zeros_hbm.at[pl.ds(r0, RPT)], acc.at[pl.ds(r0, RPT)])
        plsc.subcore_barrier()

        ncha = jnp.where(cid == 0, nch0, nch1)
        cbase = jnp.where(cid == 0, sid * nch0, NS * nch0 + sid * nch1)

        def chunk(ci, carry):
            off = (cbase + ci) * K
            pltpu.sync_copy(src_hbm.at[pl.ds(off, K)], srcv)
            pltpu.sync_copy(dst_hbm.at[pl.ds(off, K)], dstv)
            pltpu.async_copy(g_hbm.at[srcv], rows, sem).wait()
            pltpu.sync_copy(rows, acc.at[dstv], add=True)
            return carry
        lax.fori_loop(0, ncha, chunk, 0)

        plsc.subcore_barrier()
        pltpu.sync_copy(acc.at[pl.ds(r0, RPT)],
                        out_hbm.at[cid, pl.ds(r0, RPT)])
    return _agg



def _make_agg_pipe(width, nch0, nch1):
    @functools.partial(
        pl.kernel,
        out_type=jax.ShapeDtypeStruct((NC, NP, width), jnp.float32),
        mesh=_mesh,
        scratch_types=[
            pltpu.VMEM((K,), jnp.int32),
            pltpu.VMEM((K,), jnp.int32),
            pltpu.VMEM((K,), jnp.int32),
            pltpu.VMEM((K,), jnp.int32),
            pltpu.VMEM((K, width), jnp.float32),
            pltpu.VMEM((K, width), jnp.float32),
            pltpu.VMEM_SHARED((NP, width), jnp.float32),
            pltpu.SemaphoreType.DMA,
            pltpu.SemaphoreType.DMA,
            pltpu.SemaphoreType.DMA,
            pltpu.SemaphoreType.DMA,
        ],
        compiler_params=pltpu.CompilerParams(use_tc_tiling_on_sc=False),
    )
    def _agg(g_hbm, src_hbm, dst_hbm, zeros_hbm, out_hbm,
             srcv0, srcv1, dstv0, dstv1, rows0, rows1,
             acc, isem0, isem1, gsem0, gsem1):
        cid = lax.axis_index("c")
        sid = lax.axis_index("s")
        r0 = sid * RPT
        srcv = (srcv0, srcv1)
        dstv = (dstv0, dstv1)
        rows = (rows0, rows1)
        isem = (isem0, isem1)
        gsem = (gsem0, gsem1)
        ncha = jnp.where(cid == 0, nch0, nch1)
        cbase = jnp.where(cid == 0, sid * nch0, NS * nch0 + sid * nch1)

        def idx_load(c, p):
            off = (cbase + c) * K
            pltpu.async_copy(src_hbm.at[pl.ds(off, K)], srcv[p], isem[p])
            pltpu.async_copy(dst_hbm.at[pl.ds(off, K)], dstv[p], isem[p])

        def idx_wait(c, p):
            off = (cbase + c) * K
            pltpu.make_async_copy(src_hbm.at[pl.ds(off, K)], srcv[p],
                                  isem[p]).wait()
            pltpu.make_async_copy(dst_hbm.at[pl.ds(off, K)], dstv[p],
                                  isem[p]).wait()

        pltpu.sync_copy(zeros_hbm.at[pl.ds(r0, RPT)], acc.at[pl.ds(r0, RPT)])
        idx_load(0, 0)
        idx_load(1, 1)
        plsc.subcore_barrier()
        idx_wait(0, 0)
        pltpu.async_copy(g_hbm.at[srcv0], rows0, gsem0)

        def body(i, carry):
            a = 2 * i
            idx_wait(a + 1, 1)
            pltpu.async_copy(g_hbm.at[srcv[1]], rows[1], gsem[1])
            pltpu.make_async_copy(g_hbm.at[srcv[0]], rows[0], gsem[0]).wait()
            pltpu.sync_copy(rows[0], acc.at[dstv[0]], add=True)
            idx_load(a + 2, 0)
            pltpu.make_async_copy(g_hbm.at[srcv[1]], rows[1], gsem[1]).wait()
            pltpu.sync_copy(rows[1], acc.at[dstv[1]], add=True)
            idx_load(a + 3, 1)
            idx_wait(a + 2, 0)
            pltpu.async_copy(g_hbm.at[srcv[0]], rows[0], gsem[0])
            return carry
        lax.fori_loop(0, ncha // 2, body, 0)

        pltpu.make_async_copy(g_hbm.at[srcv0], rows0, gsem0).wait()
        idx_wait(ncha + 1, 1)

        plsc.subcore_barrier()
        pltpu.sync_copy(acc.at[pl.ds(r0, RPT)],
                        out_hbm.at[cid, pl.ds(r0, RPT)])
    return _agg


_agg_d = _make_agg(D, NCH0, NCH1)
_agg_c = _make_agg_pipe(C, PCH0, PCH1)



def _mm_body(x_ref, w_ref, o_ref):
    o_ref[...] = jnp.dot(x_ref[...], w_ref[...],
                         preferred_element_type=jnp.float32)


def _norm_scale_body(degp_ref, h_ref, g_ref, dis_ref):
    deg = jnp.sum(degp_ref[...], axis=0)[:N] + 1.0
    dis = lax.rsqrt(deg)
    dis_ref[...] = dis
    g_ref[...] = h_ref[...] * dis[:, None]


def _mid_body(sp_ref, g1_ref, dis_ref, b1_ref, w2_ref, g2_ref):
    s = sp_ref[0, :N, :] + sp_ref[1, :N, :]
    dis = dis_ref[...]
    out1 = jnp.maximum((s + g1_ref[...]) * dis[:, None] + b1_ref[...][None, :],
                       0.0)
    g2_ref[...] = jnp.dot(out1, w2_ref[...],
                          preferred_element_type=jnp.float32) * dis[:, None]


def _fin_body(sp_ref, g2_ref, dis_ref, b2_ref, t_ref, pred_ref, prob_ref):
    s = sp_ref[0, :N, :] + sp_ref[1, :N, :]
    logits = (s + g2_ref[...]) * dis_ref[...][:, None] + b2_ref[...][None, :]
    probs = jax.nn.sigmoid(logits)
    prob_ref[...] = probs
    pred_ref[...] = (probs > t_ref[0]).astype(jnp.float32)



@jax.jit
def kernel(x, edge_index, W1, b1, W2, b2, threshold):
    f32 = jnp.float32
    npad = EP - E
    srcp = jnp.concatenate([edge_index[0], jnp.zeros((npad,), jnp.int32)])
    dstp = jnp.concatenate([edge_index[1], jnp.full((npad,), N, jnp.int32)])
    dst3 = jnp.concatenate(
        [dstp.reshape(NW, CH, K),
         jnp.full((NW, G, K), N, jnp.int32)], axis=1)
    npad1 = EP1 + 2 * K - E
    srcp1 = jnp.concatenate([edge_index[0], jnp.zeros((npad1,), jnp.int32)])
    dstp1 = jnp.concatenate([edge_index[1], jnp.full((npad1,), N, jnp.int32)])
    zeros_d = jnp.zeros((NP, D), f32)
    zeros_c = jnp.zeros((NP, C), f32)
    thr = jnp.reshape(threshold.astype(f32), (1,))

    degp = _deg_kernel(dst3)
    h1 = pl.pallas_call(
        _mm_body, out_shape=jax.ShapeDtypeStruct((N, D), f32))(x, W1)
    g1, dis = pl.pallas_call(
        _norm_scale_body,
        out_shape=(jax.ShapeDtypeStruct((N, D), f32),
                   jax.ShapeDtypeStruct((N,), f32)))(degp, h1)
    s1p = _agg_d(g1, srcp1, dstp1, zeros_d)
    g2 = pl.pallas_call(
        _mid_body, out_shape=jax.ShapeDtypeStruct((N, C), f32))(
            s1p, g1, dis, b1, W2)
    s2p = _agg_c(g2, srcp1, dstp1, zeros_c)
    preds, probs = pl.pallas_call(
        _fin_body,
        out_shape=(jax.ShapeDtypeStruct((N, C), f32),
                   jax.ShapeDtypeStruct((N, C), f32)))(
            s2p, g2, dis, b2, thr)
    return (preds, probs)

# --- scband reference (transcript-rebuilt; emitter-appended) ---
"""Pipeline reference for scband-mutation-gcn-35175782154949 (READ-ONLY COPY).

The authoritative reference and input builder live on the scoring server;
editing this copy changes nothing except your own understanding.
"""

import jax, jax.numpy as jnp
import numpy as np

N = 10000
E = 320000
D_IN = 128
D_H = 128
C = 16

def setup_inputs(seed: int = 0) -> dict:
    key = jax.random.key(seed)
    k1, k2, k3, k4 = jax.random.split(key, 4)
    x = jax.random.normal(k1, (N, D_IN), dtype=jnp.float32)
    edge_index = jax.random.randint(k2, (2, E), 0, N, dtype=jnp.int32)
    W1 = jax.random.normal(k3, (D_IN, D_H), dtype=jnp.float32) * 0.05
    b1 = jnp.zeros((D_H,), dtype=jnp.float32)
    W2 = jax.random.normal(k4, (D_H, C), dtype=jnp.float32) * 0.05
    b2 = jnp.zeros((C,), dtype=jnp.float32)
    threshold = jnp.float32(0.5)
    return {"x": x, "edge_index": edge_index, "W1": W1, "b1": b1, "W2": W2, "b2": b2, "threshold": threshold}

def _gcn_norm(edge_index, num_nodes):
    # PyG GCNConv default: add self-loops, symmetric normalization
    loop = jnp.arange(num_nodes, dtype=edge_index.dtype)
    src = jnp.concatenate([edge_index[0], loop])
    dst = jnp.concatenate([edge_index[1], loop])
    deg = jnp.zeros((num_nodes,), dtype=jnp.float32).at[dst].add(1.0)
    deg_inv_sqrt = jnp.where(deg > 0, 1.0 / jnp.sqrt(deg), 0.0)
    norm = deg_inv_sqrt[src] * deg_inv_sqrt[dst]
    return src, dst, norm

def _gcn_conv(x, src, dst, norm, W, b, num_nodes):
    h = x @ W
    msg = h[src] * norm[:, None]
    out = jnp.zeros((num_nodes, W.shape[1]), dtype=jnp.float32).at[dst].add(msg)
    return out + b

def reference(x, edge_index, W1, b1, W2, b2, threshold=0.5):
    src, dst, norm = _gcn_norm(edge_index, N)
    h = _gcn_conv(x, src, dst, norm, W1, b1, N)
    h = jax.nn.relu(h)
    h = _gcn_conv(h, src, dst, norm, W2, b2, N)
    probabilities = jax.nn.sigmoid(h)
    predictions = (probabilities > threshold).astype(jnp.float32)
    return (predictions, probabilities)

if __name__ == "__main__":
    import jax
    _d = setup_inputs()
    print(jax.jit(kernel)(*tuple(_d.values())))

</pallas_src>

<mosaic_0001>
#map = affine_map<(d0, d1) -> (0, 0, 0)>
#map1 = affine_map<(d0, d1) -> (0, 0)>
module attributes {stable_mosaic.version = 14 : i64} {
  func.func @_deg_kernel(%arg0: i32, %arg1: i32, %arg2: memref<32x88x128xi32, #tpu.memory_space<hbm>>, %arg3: memref<32x10016xf32, #tpu.memory_space<hbm>>, %arg4: memref<88x128xi32, #tpu.memory_space<vmem>>, %arg5: memref<10016xf32, #tpu.memory_space<vmem>>) attributes {dimension_semantics = [#tpu.dimension_semantics<core_parallel>, #tpu.dimension_semantics<subcore_parallel>], iteration_bounds = array<i64: 2, 16>, scalar_prefetch = 0 : i64, scratch_operands = 2 : i64, tpu.core_type = #tpu.core_type<sc_vector_subcore>, window_params = [{transform_indices = #map}, {transform_indices = #map1}]} {
    %mul3A = arith.constant 16 : i32
    %mul3A_0 = arith.muli %arg0, %mul3A : i32
    %add3A = arith.addi %mul3A_0, %arg1 : i32
    %broadcast_in_dim3A = arith.constant 0.000000e+00 : f32
    %broadcast_in_dim3A_1 = vector.broadcast %broadcast_in_dim3A : f32 to vector<16xf32>
    %broadcast_in_dim3A_2 = arith.constant 1.000000e+00 : f32
    %broadcast_in_dim3A_3 = vector.broadcast %broadcast_in_dim3A_2 : f32 to vector<16xf32>
    "tpu.region"() ({
      %run_scoped3A = tpu.sem_alloc : memref<!tpu.dma_semaphore, #tpu.memory_space<semaphore_mem>>
      %dma_start3A = arith.constant 0 : i32
      %dma_start3A_15 = arith.constant 0 : i32
      %dma_start3A_16 = tpu.memref_slice %arg2[%add3A, %dma_start3A, %dma_start3A_15] : memref<32x88x128xi32, #tpu.memory_space<hbm>> -> memref<1x88x128xi32, #tpu.memory_space<hbm>>
      %dma_start3A_17 = tpu.memref_squeeze %dma_start3A_16 : memref<1x88x128xi32, #tpu.memory_space<hbm>> -> memref<88x128xi32, #tpu.memory_space<hbm>>
      %dma_start3A_18 = arith.constant 0 : i32
      %dma_start3A_19 = arith.constant 0 : i32
      %dma_start3A_20 = tpu.memref_slice %arg2[%add3A, %dma_start3A_18, %dma_start3A_19] : memref<32x88x128xi32, #tpu.memory_space<hbm>> -> memref<1x88x128xi32, #tpu.memory_space<hbm>>
      %dma_start3A_21 = tpu.memref_squeeze %dma_start3A_20 : memref<1x88x128xi32, #tpu.memory_space<hbm>> -> memref<88x128xi32, #tpu.memory_space<hbm>>
      tpu.enqueue_dma source(%dma_start3A_21 : memref<88x128xi32, #tpu.memory_space<hbm>>) target(%arg4 : memref<88x128xi32, #tpu.memory_space<vmem>>) target_semaphore(%run_scoped3A : memref<!tpu.dma_semaphore, #tpu.memory_space<semaphore_mem>>)
      %dma_wait3A = arith.constant 0 : i32
      %dma_wait3A_22 = arith.constant 0 : i32
      %dma_wait3A_23 = tpu.memref_slice %arg2[%add3A, %dma_wait3A, %dma_wait3A_22] : memref<32x88x128xi32, #tpu.memory_space<hbm>> -> memref<1x88x128xi32, #tpu.memory_space<hbm>>
      %dma_wait3A_24 = tpu.memref_squeeze %dma_wait3A_23 : memref<1x88x128xi32, #tpu.memory_space<hbm>> -> memref<88x128xi32, #tpu.memory_space<hbm>>
      %dma_wait3A_25 = arith.constant 0 : i32
      %dma_wait3A_26 = arith.constant 0 : i32
      %dma_wait3A_27 = tpu.memref_slice %arg2[%add3A, %dma_wait3A_25, %dma_wait3A_26] : memref<32x88x128xi32, #tpu.memory_space<hbm>> -> memref<1x88x128xi32, #tpu.memory_space<hbm>>
      %dma_wait3A_28 = tpu.memref_squeeze %dma_wait3A_27 : memref<1x88x128xi32, #tpu.memory_space<hbm>> -> memref<88x128xi32, #tpu.memory_space<hbm>>
      tpu.wait_dma2 semaphore(%run_scoped3A : memref<!tpu.dma_semaphore, #tpu.memory_space<semaphore_mem>>) src(%dma_wait3A_28 : memref<88x128xi32, #tpu.memory_space<hbm>>) dst(%arg4 : memref<88x128xi32, #tpu.memory_space<vmem>>)
      tpu.yield
    }) : () -> ()
    %scan3A = arith.constant 0 : i32
    %scan3A_4 = arith.constant 0 : i32
    %scan3A_5 = arith.constant 626 : i32
    %scan3A_6 = arith.addi %scan3A_4, %scan3A_5 : i32
    %scan3A_7 = arith.constant 1 : i32
    scf.for %scan3A_15 = %scan3A_4 to %scan3A_6 step %scan3A_7  : i32 {
      %mul3A_16 = arith.constant 16 : i32
      %mul3A_17 = arith.muli %scan3A_15, %mul3A_16 : i32
      %swap3A = arith.index_cast %mul3A_17 : i32 to index
      %swap3A_18 = tpu.vector_load %arg5[%swap3A] {strides = array<i32>} : memref<10016xf32, #tpu.memory_space<vmem>>, vector<16xf32>,
      tpu.vector_store %arg5[%swap3A], %broadcast_in_dim3A_1 {strides = array<i32>} : memref<10016xf32, #tpu.memory_space<vmem>>, vector<16xf32>,
    }
    %scan3A_8 = arith.constant 626 : i32
    %scan3A_9 = arith.constant 0 : i32
    %scan3A_10 = arith.constant 0 : i32
    %scan3A_11 = arith.constant 80 : i32
    %scan3A_12 = arith.addi %scan3A_10, %scan3A_11 : i32
    %scan3A_13 = arith.constant 1 : i32
    scf.for %scan3A_15 = %scan3A_10 to %scan3A_12 step %scan3A_13  : i32 {
      %get3A = arith.index_cast %scan3A_15 : i32 to index
      %get3A_16 = arith.constant 0 : index
      %get3A_17 = tpu.vector_load %arg4[%get3A, %get3A_16] {strides = array<i32>} : memref<88x128xi32, #tpu.memory_space<vmem>>, vector<16xi32>,
      tpu.vector_store_idx %arg5[%get3A_17], %broadcast_in_dim3A_3 {add = true} : memref<10016xf32, #tpu.memory_space<vmem>>[vector<16xi32>], vector<16xf32>,
      %get3A_18 = arith.index_cast %scan3A_15 : i32 to index
      %get3A_19 = arith.constant 16 : index
      %get3A_20 = tpu.vector_load %arg4[%get3A_18, %get3A_19] {strides = array<i32>} : memref<88x128xi32, #tpu.memory_space<vmem>>, vector<16xi32>,
      tpu.vector_store_idx %arg5[%get3A_20], %broadcast_in_dim3A_3 {add = true} : memref<10016xf32, #tpu.memory_space<vmem>>[vector<16xi32>], vector<16xf32>,
      %get3A_21 = arith.index_cast %scan3A_15 : i32 to index
      %get3A_22 = arith.constant 32 : index
      %get3A_23 = tpu.vector_load %arg4[%get3A_21, %get3A_22] {strides = array<i32>} : memref<88x128xi32, #tpu.memory_space<vmem>>, vector<16xi32>,
      tpu.vector_store_idx %arg5[%get3A_23], %broadcast_in_dim3A_3 {add = true} : memref<10016xf32, #tpu.memory_space<vmem>>[vector<16xi32>], vector<16xf32>,
      %get3A_24 = arith.index_cast %scan3A_15 : i32 to index
      %get3A_25 = arith.constant 48 : index
      %get3A_26 = tpu.vector_load %arg4[%get3A_24, %get3A_25] {strides = array<i32>} : memref<88x128xi32, #tpu.memory_space<vmem>>, vector<16xi32>,
      tpu.vector_store_idx %arg5[%get3A_26], %broadcast_in_dim3A_3 {add = true} : memref<10016xf32, #tpu.memory_space<vmem>>[vector<16xi32>], vector<16xf32>,
      %get3A_27 = arith.index_cast %scan3A_15 : i32 to index
      %get3A_28 = arith.constant 64 : index
      %get3A_29 = tpu.vector_load %arg4[%get3A_27, %get3A_28] {strides = array<i32>} : memref<88x128xi32, #tpu.memory_space<vmem>>, vector<16xi32>,
      tpu.vector_store_idx %arg5[%get3A_29], %broadcast_in_dim3A_3 {add = true} : memref<10016xf32, #tpu.memory_space<vmem>>[vector<16xi32>], vector<16xf32>,
      %get3A_30 = arith.index_cast %scan3A_15 : i32 to index
      %get3A_31 = arith.constant 80 : index
      %get3A_32 = tpu.vector_load %arg4[%get3A_30, %get3A_31] {strides = array<i32>} : memref<88x128xi32, #tpu.memory_space<vmem>>, vector<16xi32>,
      tpu.vector_store_idx %arg5[%get3A_32], %broadcast_in_dim3A_3 {add = true} : memref<10016xf32, #tpu.memory_space<vmem>>[vector<16xi32>], vector<16xf32>,
      %get3A_33 = arith.index_cast %scan3A_15 : i32 to index
      %get3A_34 = arith.constant 96 : index
      %get3A_35 = tpu.vector_load %arg4[%get3A_33, %get3A_34] {strides = array<i32>} : memref<88x128xi32, #tpu.memory_space<vmem>>, vector<16xi32>,
      tpu.vector_store_idx %arg5[%get3A_35], %broadcast_in_dim3A_3 {add = true} : memref<10016xf32, #tpu.memory_space<vmem>>[vector<16xi32>], vector<16xf32>,
      %get3A_36 = arith.index_cast %scan3A_15 : i32 to index
      %get3A_37 = arith.constant 112 : index
      %get3A_38 = tpu.vector_load %arg4[%get3A_36, %get3A_37] {strides = array<i32>} : memref<88x128xi32, #tpu.memory_space<vmem>>, vector<16xi32>,
      tpu.vector_store_idx %arg5[%get3A_38], %broadcast_in_dim3A_3 {add = true} : memref<10016xf32, #tpu.memory_space<vmem>>[vector<16xi32>], vector<16xf32>,
    }
    %scan3A_14 = arith.constant 80 : i32
    "tpu.region"() ({
      %run_scoped3A = tpu.sem_alloc : memref<!tpu.dma_semaphore, #tpu.memory_space<semaphore_mem>>
      %dma_start3A = arith.constant 0 : i32
      %dma_start3A_15 = tpu.memref_slice %arg3[%add3A, %dma_start3A] : memref<32x10016xf32, #tpu.memory_space<hbm>> -> memref<1x10016xf32, #tpu.memory_space<hbm>>
      %dma_start3A_16 = tpu.memref_squeeze %dma_start3A_15 : memref<1x10016xf32, #tpu.memory_space<hbm>> -> memref<10016xf32, #tpu.memory_space<hbm>>
      %dma_start3A_17 = arith.constant 0 : i32
      %dma_start3A_18 = tpu.memref_slice %arg3[%add3A, %dma_start3A_17] : memref<32x10016xf32, #tpu.memory_space<hbm>> -> memref<1x10016xf32, #tpu.memory_space<hbm>>
      %dma_start3A_19 = tpu.memref_squeeze %dma_start3A_18 : memref<1x10016xf32, #tpu.memory_space<hbm>> -> memref<10016xf32, #tpu.memory_space<hbm>>
      tpu.enqueue_dma source(%arg5 : memref<10016xf32, #tpu.memory_space<vmem>>) target(%dma_start3A_19 : memref<10016xf32, #tpu.memory_space<hbm>>) target_semaphore(%run_scoped3A : memref<!tpu.dma_semaphore, #tpu.memory_space<semaphore_mem>>)
      %dma_wait3A = arith.constant 0 : i32
      %dma_wait3A_20 = tpu.memref_slice %arg3[%add3A, %dma_wait3A] : memref<32x10016xf32, #tpu.memory_space<hbm>> -> memref<1x10016xf32, #tpu.memory_space<hbm>>
      %dma_wait3A_21 = tpu.memref_squeeze %dma_wait3A_20 : memref<1x10016xf32, #tpu.memory_space<hbm>> -> memref<10016xf32, #tpu.memory_space<hbm>>
      %dma_wait3A_22 = arith.constant 0 : i32
      %dma_wait3A_23 = tpu.memref_slice %arg3[%add3A, %dma_wait3A_22] : memref<32x10016xf32, #tpu.memory_space<hbm>> -> memref<1x10016xf32, #tpu.memory_space<hbm>>
      %dma_wait3A_24 = tpu.memref_squeeze %dma_wait3A_23 : memref<1x10016xf32, #tpu.memory_space<hbm>> -> memref<10016xf32, #tpu.memory_space<hbm>>
      tpu.wait_dma2 semaphore(%run_scoped3A : memref<!tpu.dma_semaphore, #tpu.memory_space<semaphore_mem>>) src(%arg5 : memref<10016xf32, #tpu.memory_space<vmem>>) dst(%dma_wait3A_24 : memref<10016xf32, #tpu.memory_space<hbm>>)
      tpu.yield
    }) : () -> ()
    return
  }
}

#map = affine_map<(d0, d1) -> (0, 0)>
#map1 = affine_map<(d0, d1) -> (0)>
#map2 = affine_map<(d0, d1) -> (0, 0, 0)>
module attributes {stable_mosaic.version = 14 : i64} {
  func.func @_agg(%arg0: i32, %arg1: i32, %arg2: memref<10000x16xf32, #tpu.memory_space<hbm>>, %arg3: memref<323840xi32, #tpu.memory_space<hbm>>, %arg4: memref<323840xi32, #tpu.memory_space<hbm>>, %arg5: memref<10016x16xf32, #tpu.memory_space<hbm>>, %arg6: memref<2x10016x16xf32, #tpu.memory_space<hbm>>, %arg7: memref<128xi32, #tpu.memory_space<vmem>>, %arg8: memref<128xi32, #tpu.memory_space<vmem>>, %arg9: memref<128xi32, #tpu.memory_space<vmem>>, %arg10: memref<128xi32, #tpu.memory_space<vmem>>, %arg11: memref<128x16xf32, #tpu.memory_space<vmem>>, %arg12: memref<128x16xf32, #tpu.memory_space<vmem>>, %arg13: memref<10016x16xf32, #tpu.memory_space<vmem_shared>>, %arg14: memref<!tpu.dma_semaphore, #tpu.memory_space<semaphore_mem>>, %arg15: memref<!tpu.dma_semaphore, #tpu.memory_space<semaphore_mem>>, %arg16: memref<!tpu.dma_semaphore, #tpu.memory_space<semaphore_mem>>, %arg17: memref<!tpu.dma_semaphore, #tpu.memory_space<semaphore_mem>>) attributes {dimension_semantics = [#tpu.dimension_semantics<core_parallel>, #tpu.dimension_semantics<subcore_parallel>], iteration_bounds = array<i64: 2, 16>, scalar_prefetch = 0 : i64, scratch_operands = 11 : i64, tpu.core_type = #tpu.core_type<sc_vector_subcore>, window_params = [{transform_indices = #map}, {transform_indices = #map1}, {transform_indices = #map1}, {transform_indices = #map}, {transform_indices = #map2}]} {
    %mul3A = arith.constant 626 : i32
    %mul3A_0 = arith.muli %arg1, %mul3A : i32
    %eq3A = arith.constant 0 : i32
    %eq3A_1 = arith.cmpi eq, %arg0, %eq3A : i32
    %jit3A = arith.constant 94 : i32
    %jit3A_2 = arith.constant 64 : i32
    %select_n3A = arith.select %eq3A_1, %jit3A, %jit3A_2 : i32
    %eq3A_3 = arith.constant 0 : i32
    %eq3A_4 = arith.cmpi eq, %arg0, %eq3A_3 : i32
    %mul3A_5 = arith.constant 94 : i32
    %mul3A_6 = arith.muli %arg1, %mul3A_5 : i32
    %mul3A_7 = arith.constant 64 : i32
    %mul3A_8 = arith.muli %arg1, %mul3A_7 : i32
    %add3A = arith.constant 1504 : i32
    %add3A_9 = arith.addi %add3A, %mul3A_8 : i32
    %select_n3A_10 = arith.select %eq3A_4, %mul3A_6, %add3A_9 : i32
    "tpu.region"() ({
      %run_scoped3A = tpu.sem_alloc : memref<!tpu.dma_semaphore, #tpu.memory_space<semaphore_mem>>
      %dma_start3A_76 = arith.constant 0 : i32
      %dma_start3A_77 = tpu.memref_slice %arg13[%mul3A_0, %dma_start3A_76] : memref<10016x16xf32, #tpu.memory_space<vmem_shared>> -> memref<626x16xf32, #tpu.memory_space<vmem_shared>>
      %dma_start3A_78 = arith.constant 0 : i32
      %dma_start3A_79 = tpu.memref_slice %arg5[%mul3A_0, %dma_start3A_78] : memref<10016x16xf32, #tpu.memory_space<hbm>> -> memref<626x16xf32, #tpu.memory_space<hbm>>
      tpu.enqueue_dma source(%dma_start3A_79 : memref<626x16xf32, #tpu.memory_space<hbm>>) target(%dma_start3A_77 : memref<626x16xf32, #tpu.memory_space<vmem_shared>>) target_semaphore(%run_scoped3A : memref<!tpu.dma_semaphore, #tpu.memory_space<semaphore_mem>>)
      %dma_wait3A_80 = arith.constant 0 : i32
      %dma_wait3A_81 = tpu.memref_slice %arg13[%mul3A_0, %dma_wait3A_80] : memref<10016x16xf32, #tpu.memory_space<vmem_shared>> -> memref<626x16xf32, #tpu.memory_space<vmem_shared>>
      %dma_wait3A_82 = arith.constant 0 : i32
      %dma_wait3A_83 = tpu.memref_slice %arg5[%mul3A_0, %dma_wait3A_82] : memref<10016x16xf32, #tpu.memory_space<hbm>> -> memref<626x16xf32, #tpu.memory_space<hbm>>
      tpu.wait_dma2 semaphore(%run_scoped3A : memref<!tpu.dma_semaphore, #tpu.memory_space<semaphore_mem>>) src(%dma_wait3A_83 : memref<626x16xf32, #tpu.memory_space<hbm>>) dst(%dma_wait3A_81 : memref<626x16xf32, #tpu.memory_space<vmem_shared>>)
      tpu.yield
    }) : () -> ()
    %add3A_11 = arith.constant 0 : i32
    %add3A_12 = arith.addi %select_n3A_10, %add3A_11 : i32
    %mul3A_13 = arith.constant 128 : i32
    %mul3A_14 = arith.muli %add3A_12, %mul3A_13 : i32
    %dma_start3A = tpu.memref_slice %arg3[%mul3A_14] : memref<323840xi32, #tpu.memory_space<hbm>> -> memref<128xi32, #tpu.memory_space<hbm>>
    %dma_start3A_15 = tpu.memref_slice %arg3[%mul3A_14] : memref<323840xi32, #tpu.memory_space<hbm>> -> memref<128xi32, #tpu.memory_space<hbm>>
    tpu.enqueue_dma source(%dma_start3A_15 : memref<128xi32, #tpu.memory_space<hbm>>) target(%arg7 : memref<128xi32, #tpu.memory_space<vmem>>) target_semaphore(%arg14 : memref<!tpu.dma_semaphore, #tpu.memory_space<semaphore_mem>>)
    %dma_start3A_16 = tpu.memref_slice %arg4[%mul3A_14] : memref<323840xi32, #tpu.memory_space<hbm>> -> memref<128xi32, #tpu.memory_space<hbm>>
    %dma_start3A_17 = tpu.memref_slice %arg4[%mul3A_14] : memref<323840xi32, #tpu.memory_space<hbm>> -> memref<128xi32, #tpu.memory_space<hbm>>
    tpu.enqueue_dma source(%dma_start3A_17 : memref<128xi32, #tpu.memory_space<hbm>>) target(%arg9 : memref<128xi32, #tpu.memory_space<vmem>>) target_semaphore(%arg14 : memref<!tpu.dma_semaphore, #tpu.memory_space<semaphore_mem>>)
    %add3A_18 = arith.constant 1 : i32
    %add3A_19 = arith.addi %select_n3A_10, %add3A_18 : i32
    %mul3A_20 = arith.constant 128 : i32
    %mul3A_21 = arith.muli %add3A_19, %mul3A_20 : i32
    %dma_start3A_22 = tpu.memref_slice %arg3[%mul3A_21] : memref<323840xi32, #tpu.memory_space<hbm>> -> memref<128xi32, #tpu.memory_space<hbm>>
    %dma_start3A_23 = tpu.memref_slice %arg3[%mul3A_21] : memref<323840xi32, #tpu.memory_space<hbm>> -> memref<128xi32, #tpu.memory_space<hbm>>
    tpu.enqueue_dma source(%dma_start3A_23 : memref<128xi32, #tpu.memory_space<hbm>>) target(%arg8 : memref<128xi32, #tpu.memory_space<vmem>>) target_semaphore(%arg15 : memref<!tpu.dma_semaphore, #tpu.memory_space<semaphore_mem>>)
    %dma_start3A_24 = tpu.memref_slice %arg4[%mul3A_21] : memref<323840xi32, #tpu.memory_space<hbm>> -> memref<128xi32, #tpu.memory_space<hbm>>
    %dma_start3A_25 = tpu.memref_slice %arg4[%mul3A_21] : memref<323840xi32, #tpu.memory_space<hbm>> -> memref<128xi32, #tpu.memory_space<hbm>>
    tpu.enqueue_dma source(%dma_start3A_25 : memref<128xi32, #tpu.memory_space<hbm>>) target(%arg10 : memref<128xi32, #tpu.memory_space<vmem>>) target_semaphore(%arg15 : memref<!tpu.dma_semaphore, #tpu.memory_space<semaphore_mem>>)
    %barrier3A = arith.constant 0 : index
    tpu.barrier barrier_id(%barrier3A)
    %add3A_26 = arith.constant 0 : i32
    %add3A_27 = arith.addi %select_n3A_10, %add3A_26 : i32
    %mul3A_28 = arith.constant 128 : i32
    %mul3A_29 = arith.muli %add3A_27, %mul3A_28 : i32
    %dma_wait3A = tpu.memref_slice %arg3[%mul3A_29] : memref<323840xi32, #tpu.memory_space<hbm>> -> memref<128xi32, #tpu.memory_space<hbm>>
    %dma_wait3A_30 = tpu.memref_slice %arg3[%mul3A_29] : memref<323840xi32, #tpu.memory_space<hbm>> -> memref<128xi32, #tpu.memory_space<hbm>>
    tpu.wait_dma2 semaphore(%arg14 : memref<!tpu.dma_semaphore, #tpu.memory_space<semaphore_mem>>) src(%dma_wait3A_30 : memref<128xi32, #tpu.memory_space<hbm>>) dst(%arg7 : memref<128xi32, #tpu.memory_space<vmem>>)
    %dma_wait3A_31 = tpu.memref_slice %arg4[%mul3A_29] : memref<323840xi32, #tpu.memory_space<hbm>> -> memref<128xi32, #tpu.memory_space<hbm>>
    %dma_wait3A_32 = tpu.memref_slice %arg4[%mul3A_29] : memref<323840xi32, #tpu.memory_space<hbm>> -> memref<128xi32, #tpu.memory_space<hbm>>
    tpu.wait_dma2 semaphore(%arg14 : memref<!tpu.dma_semaphore, #tpu.memory_space<semaphore_mem>>) src(%dma_wait3A_32 : memref<128xi32, #tpu.memory_space<hbm>>) dst(%arg9 : memref<128xi32, #tpu.memory_space<vmem>>)
    %dma_start3A_33 = arith.constant 0 : i32
    %dma_start3A_34 = arith.constant 0 : i32
    %dma_start3A_35 = tpu.memref_slice %arg2[%dma_start3A_33, %dma_start3A_34] : memref<10000x16xf32, #tpu.memory_space<hbm>> -> memref<10000x16xf32, #tpu.memory_space<hbm>>
    tpu.enqueue_indirect_dma source(%dma_start3A_35 : memref<10000x16xf32, #tpu.memory_space<hbm>>) target(%arg11 : memref<128x16xf32, #tpu.memory_space<vmem>>) offsets(%arg7 : memref<128xi32, #tpu.memory_space<vmem>>) semaphore(%arg16 : memref<!tpu.dma_semaphore, #tpu.memory_space<semaphore_mem>>)
    %jit3A_36 = arith.constant 2 : i32
    %div3A = arith.divsi %select_n3A, %jit3A_36 : i32
    %sign3A = arith.constant 0 : i32
    %sign3A_37 = arith.cmpi sgt, %select_n3A, %sign3A : i32
    %sign3A_38 = arith.extui %sign3A_37 : i1 to i32
    %sign3A_39 = arith.constant 0 : i32
    %sign3A_40 = arith.cmpi slt, %select_n3A, %sign3A_39 : i32
    %sign3A_41 = arith.extui %sign3A_40 : i1 to i32
    %sign3A_42 = arith.subi %sign3A_38, %sign3A_41 : i32
    %sign3A_43 = arith.constant 0 : i32
    %sign3A_44 = arith.cmpi sgt, %jit3A_36, %sign3A_43 : i32
    %sign3A_45 = arith.extui %sign3A_44 : i1 to i32
    %sign3A_46 = arith.constant 0 : i32
    %sign3A_47 = arith.cmpi slt, %jit3A_36, %sign3A_46 : i32
    %sign3A_48 = arith.extui %sign3A_47 : i1 to i32
    %sign3A_49 = arith.subi %sign3A_45, %sign3A_48 : i32
    %ne3A = arith.cmpi ne, %sign3A_42, %sign3A_49 : i32
    %rem3A = arith.remsi %select_n3A, %jit3A_36 : i32
    %ne3A_50 = arith.constant 0 : i32
    %ne3A_51 = arith.cmpi ne, %rem3A, %ne3A_50 : i32
    %and3A = arith.andi %ne3A, %ne3A_51 : i1
    %sub3A = arith.constant 1 : i32
    %sub3A_52 = arith.subi %div3A, %sub3A : i32
    %select_n3A_53 = arith.select %and3A, %sub3A_52, %div3A : i32
    %while3A = arith.constant 0 : i32
    %while3A_54 = arith.constant 0 : i32
    %while3A_55 = arith.subi %select_n3A_53, %while3A_54 : i32
    %while3A_56 = arith.addi %while3A_54, %while3A_55 : i32
    %while3A_57 = arith.constant 1 : i32
    %while3A_58 = arith.divsi %while3A_55, %while3A_57 : i32
    %while3A_59 = arith.muli %while3A_58, %while3A_57 : i32
    %while3A_60 = arith.addi %while3A_54, %while3A_59 : i32
    %while3A_61 = arith.constant 1 : i32
    scf.for %while3A_76 = %while3A_54 to %while3A_60 step %while3A_61  : i32 {
      %mul3A_77 = arith.constant 2 : i32
      %mul3A_78 = arith.muli %mul3A_77, %while3A_76 : i32
      %add3A_79 = arith.constant 1 : i32
      %add3A_80 = arith.addi %mul3A_78, %add3A_79 : i32
      %add3A_81 = arith.addi %select_n3A_10, %add3A_80 : i32
      %mul3A_82 = arith.constant 128 : i32
      %mul3A_83 = arith.muli %add3A_81, %mul3A_82 : i32
      %dma_wait3A_84 = tpu.memref_slice %arg3[%mul3A_83] : memref<323840xi32, #tpu.memory_space<hbm>> -> memref<128xi32, #tpu.memory_space<hbm>>
      %dma_wait3A_85 = tpu.memref_slice %arg3[%mul3A_83] : memref<323840xi32, #tpu.memory_space<hbm>> -> memref<128xi32, #tpu.memory_space<hbm>>
      tpu.wait_dma2 semaphore(%arg15 : memref<!tpu.dma_semaphore, #tpu.memory_space<semaphore_mem>>) src(%dma_wait3A_85 : memref<128xi32, #tpu.memory_space<hbm>>) dst(%arg8 : memref<128xi32, #tpu.memory_space<vmem>>)
      %dma_wait3A_86 = tpu.memref_slice %arg4[%mul3A_83] : memref<323840xi32, #tpu.memory_space<hbm>> -> memref<128xi32, #tpu.memory_space<hbm>>
      %dma_wait3A_87 = tpu.memref_slice %arg4[%mul3A_83] : memref<323840xi32, #tpu.memory_space<hbm>> -> memref<128xi32, #tpu.memory_space<hbm>>
      tpu.wait_dma2 semaphore(%arg15 : memref<!tpu.dma_semaphore, #tpu.memory_space<semaphore_mem>>) src(%dma_wait3A_87 : memref<128xi32, #tpu.memory_space<hbm>>) dst(%arg10 : memref<128xi32, #tpu.memory_space<vmem>>)
      %dma_start3A_88 = arith.constant 0 : i32
      %dma_start3A_89 = arith.constant 0 : i32
      %dma_start3A_90 = tpu.memref_slice %arg2[%dma_start3A_88, %dma_start3A_89] : memref<10000x16xf32, #tpu.memory_space<hbm>> -> memref<10000x16xf32, #tpu.memory_space<hbm>>
      tpu.enqueue_indirect_dma source(%dma_start3A_90 : memref<10000x16xf32, #tpu.memory_space<hbm>>) target(%arg12 : memref<128x16xf32, #tpu.memory_space<vmem>>) offsets(%arg8 : memref<128xi32, #tpu.memory_space<vmem>>) semaphore(%arg17 : memref<!tpu.dma_semaphore, #tpu.memory_space<semaphore_mem>>)
      %dma_wait3A_91 = arith.constant 0 : i32
      %dma_wait3A_92 = arith.constant 0 : i32
      %dma_wait3A_93 = tpu.memref_slice %arg2[%dma_wait3A_91, %dma_wait3A_92] : memref<10000x16xf32, #tpu.memory_space<hbm>> -> memref<10000x16xf32, #tpu.memory_space<hbm>>
      tpu.wait_indirect_dma semaphore(%arg16 : memref<!tpu.dma_semaphore, #tpu.memory_space<semaphore_mem>>) src(%dma_wait3A_93 : memref<10000x16xf32, #tpu.memory_space<hbm>>) dst(%arg11 : memref<128x16xf32, #tpu.memory_space<vmem>>)
      "tpu.region"() ({
        %run_scoped3A = tpu.sem_alloc : memref<!tpu.dma_semaphore, #tpu.memory_space<semaphore_mem>>
        %dma_start3A_127 = arith.constant 0 : i32
        %dma_start3A_128 = arith.constant 0 : i32
        %dma_start3A_129 = tpu.memref_slice %arg13[%dma_start3A_127, %dma_start3A_128] : memref<10016x16xf32, #tpu.memory_space<vmem_shared>> -> memref<10016x16xf32, #tpu.memory_space<vmem_shared>>
        tpu.enqueue_indirect_dma source(%arg11 : memref<128x16xf32, #tpu.memory_space<vmem>>) target(%dma_start3A_129 : memref<10016x16xf32, #tpu.memory_space<vmem_shared>>) offsets(%arg9 : memref<128xi32, #tpu.memory_space<vmem>>) semaphore(%run_scoped3A : memref<!tpu.dma_semaphore, #tpu.memory_space<semaphore_mem>>) {add = true}
        %dma_wait3A_130 = arith.constant 0 : i32
        %dma_wait3A_131 = arith.constant 0 : i32
        %dma_wait3A_132 = tpu.memref_slice %arg13[%dma_wait3A_130, %dma_wait3A_131] : memref<10016x16xf32, #tpu.memory_space<vmem_shared>> -> memref<10016x16xf32, #tpu.memory_space<vmem_shared>>
        tpu.wait_indirect_dma semaphore(%run_scoped3A : memref<!tpu.dma_semaphore, #tpu.memory_space<semaphore_mem>>) src(%arg11 : memref<128x16xf32, #tpu.memory_space<vmem>>) dst(%dma_wait3A_132 : memref<10016x16xf32, #tpu.memory_space<vmem_shared>>)
        tpu.yield
      }) : () -> ()
      %add3A_94 = arith.constant 2 : i32
      %add3A_95 = arith.addi %mul3A_78, %add3A_94 : i32
      %add3A_96 = arith.addi %select_n3A_10, %add3A_95 : i32
      %mul3A_97 = arith.constant 128 : i32
      %mul3A_98 = arith.muli %add3A_96, %mul3A_97 : i32
      %dma_start3A_99 = tpu.memref_slice %arg3[%mul3A_98] : memref<323840xi32, #tpu.memory_space<hbm>> -> memref<128xi32, #tpu.memory_space<hbm>>
      %dma_start3A_100 = tpu.memref_slice %arg3[%mul3A_98] : memref<323840xi32, #tpu.memory_space<hbm>> -> memref<128xi32, #tpu.memory_space<hbm>>
      tpu.enqueue_dma source(%dma_start3A_100 : memref<128xi32, #tpu.memory_space<hbm>>) target(%arg7 : memref<128xi32, #tpu.memory_space<vmem>>) target_semaphore(%arg14 : memref<!tpu.dma_semaphore, #tpu.memory_space<semaphore_mem>>)
      %dma_start3A_101 = tpu.memref_slice %arg4[%mul3A_98] : memref<323840xi32, #tpu.memory_space<hbm>> -> memref<128xi32, #tpu.memory_space<hbm>>
      %dma_start3A_102 = tpu.memref_slice %arg4[%mul3A_98] : memref<323840xi32, #tpu.memory_space<hbm>> -> memref<128xi32, #tpu.memory_space<hbm>>
      tpu.enqueue_dma source(%dma_start3A_102 : memref<128xi32, #tpu.memory_space<hbm>>) target(%arg9 : memref<128xi32, #tpu.memory_space<vmem>>) target_semaphore(%arg14 : memref<!tpu.dma_semaphore, #tpu.memory_space<semaphore_mem>>)
      %dma_wait3A_103 = arith.constant 0 : i32
      %dma_wait3A_104 = arith.constant 0 : i32
      %dma_wait3A_105 = tpu.memref_slice %arg2[%dma_wait3A_103, %dma_wait3A_104] : memref<10000x16xf32, #tpu.memory_space<hbm>> -> memref<10000x16xf32, #tpu.memory_space<hbm>>
      tpu.wait_indirect_dma semaphore(%arg17 : memref<!tpu.dma_semaphore, #tpu.memory_space<semaphore_mem>>) src(%dma_wait3A_105 : memref<10000x16xf32, #tpu.memory_space<hbm>>) dst(%arg12 : memref<128x16xf32, #tpu.memory_space<vmem>>)
      "tpu.region"() ({
        %run_scoped3A = tpu.sem_alloc : memref<!tpu.dma_semaphore, #tpu.memory_space<semaphore_mem>>
        %dma_start3A_127 = arith.constant 0 : i32
        %dma_start3A_128 = arith.constant 0 : i32
        %dma_start3A_129 = tpu.memref_slice %arg13[%dma_start3A_127, %dma_start3A_128] : memref<10016x16xf32, #tpu.memory_space<vmem_shared>> -> memref<10016x16xf32, #tpu.memory_space<vmem_shared>>
        tpu.enqueue_indirect_dma source(%arg12 : memref<128x16xf32, #tpu.memory_space<vmem>>) target(%dma_start3A_129 : memref<10016x16xf32, #tpu.memory_space<vmem_shared>>) offsets(%arg10 : memref<128xi32, #tpu.memory_space<vmem>>) semaphore(%run_scoped3A : memref<!tpu.dma_semaphore, #tpu.memory_space<semaphore_mem>>) {add = true}
        %dma_wait3A_130 = arith.constant 0 : i32
        %dma_wait3A_131 = arith.constant 0 : i32
        %dma_wait3A_132 = tpu.memref_slice %arg13[%dma_wait3A_130, %dma_wait3A_131] : memref<10016x16xf32, #tpu.memory_space<vmem_shared>> -> memref<10016x16xf32, #tpu.memory_space<vmem_shared>>
        tpu.wait_indirect_dma semaphore(%run_scoped3A : memref<!tpu.dma_semaphore, #tpu.memory_space<semaphore_mem>>) src(%arg12 : memref<128x16xf32, #tpu.memory_space<vmem>>) dst(%dma_wait3A_132 : memref<10016x16xf32, #tpu.memory_space<vmem_shared>>)
        tpu.yield
      }) : () -> ()
      %add3A_106 = arith.constant 3 : i32
      %add3A_107 = arith.addi %mul3A_78, %add3A_106 : i32
      %add3A_108 = arith.addi %select_n3A_10, %add3A_107 : i32
      %mul3A_109 = arith.constant 128 : i32
      %mul3A_110 = arith.muli %add3A_108, %mul3A_109 : i32
      %dma_start3A_111 = tpu.memref_slice %arg3[%mul3A_110] : memref<323840xi32, #tpu.memory_space<hbm>> -> memref<128xi32, #tpu.memory_space<hbm>>
      %dma_start3A_112 = tpu.memref_slice %arg3[%mul3A_110] : memref<323840xi32, #tpu.memory_space<hbm>> -> memref<128xi32, #tpu.memory_space<hbm>>
      tpu.enqueue_dma source(%dma_start3A_112 : memref<128xi32, #tpu.memory_space<hbm>>) target(%arg8 : memref<128xi32, #tpu.memory_space<vmem>>) target_semaphore(%arg15 : memref<!tpu.dma_semaphore, #tpu.memory_space<semaphore_mem>>)
      %dma_start3A_113 = tpu.memref_slice %arg4[%mul3A_110] : memref<323840xi32, #tpu.memory_space<hbm>> -> memref<128xi32, #tpu.memory_space<hbm>>
      %dma_start3A_114 = tpu.memref_slice %arg4[%mul3A_110] : memref<323840xi32, #tpu.memory_space<hbm>> -> memref<128xi32, #tpu.memory_space<hbm>>
      tpu.enqueue_dma source(%dma_start3A_114 : memref<128xi32, #tpu.memory_space<hbm>>) target(%arg10 : memref<128xi32, #tpu.memory_space<vmem>>) target_semaphore(%arg15 : memref<!tpu.dma_semaphore, #tpu.memory_space<semaphore_mem>>)
      %add3A_115 = arith.constant 2 : i32
      %add3A_116 = arith.addi %mul3A_78, %add3A_115 : i32
      %add3A_117 = arith.addi %select_n3A_10, %add3A_116 : i32
      %mul3A_118 = arith.constant 128 : i32
      %mul3A_119 = arith.muli %add3A_117, %mul3A_118 : i32
      %dma_wait3A_120 = tpu.memref_slice %arg3[%mul3A_119] : memref<323840xi32, #tpu.memory_space<hbm>> -> memref<128xi32, #tpu.memory_space<hbm>>
      %dma_wait3A_121 = tpu.memref_slice %arg3[%mul3A_119] : memref<323840xi32, #tpu.memory_space<hbm>> -> memref<128xi32, #tpu.memory_space<hbm>>
      tpu.wait_dma2 semaphore(%arg14 : memref<!tpu.dma_semaphore, #tpu.memory_space<semaphore_mem>>) src(%dma_wait3A_121 : memref<128xi32, #tpu.memory_space<hbm>>) dst(%arg7 : memref<128xi32, #tpu.memory_space<vmem>>)
      %dma_wait3A_122 = tpu.memref_slice %arg4[%mul3A_119] : memref<323840xi32, #tpu.memory_space<hbm>> -> memref<128xi32, #tpu.memory_space<hbm>>
      %dma_wait3A_123 = tpu.memref_slice %arg4[%mul3A_119] : memref<323840xi32, #tpu.memory_space<hbm>> -> memref<128xi32, #tpu.memory_space<hbm>>
      tpu.wait_dma2 semaphore(%arg14 : memref<!tpu.dma_semaphore, #tpu.memory_space<semaphore_mem>>) src(%dma_wait3A_123 : memref<128xi32, #tpu.memory_space<hbm>>) dst(%arg9 : memref<128xi32, #tpu.memory_space<vmem>>)
      %dma_start3A_124 = arith.constant 0 : i32
      %dma_start3A_125 = arith.constant 0 : i32
      %dma_start3A_126 = tpu.memref_slice %arg2[%dma_start3A_124, %dma_start3A_125] : memref<10000x16xf32, #tpu.memory_space<hbm>> -> memref<10000x16xf32, #tpu.memory_space<hbm>>
      tpu.enqueue_indirect_dma source(%dma_start3A_126 : memref<10000x16xf32, #tpu.memory_space<hbm>>) target(%arg11 : memref<128x16xf32, #tpu.memory_space<vmem>>) offsets(%arg7 : memref<128xi32, #tpu.memory_space<vmem>>) semaphore(%arg16 : memref<!tpu.dma_semaphore, #tpu.memory_space<semaphore_mem>>)
    }
    %while3A_62 = arith.constant 1 : i32
    scf.for %while3A_76 = %while3A_60 to %while3A_56 step %while3A_62  : i32 {
      %mul3A_77 = arith.constant 2 : i32
      %mul3A_78 = arith.muli %mul3A_77, %while3A_76 : i32
      %add3A_79 = arith.constant 1 : i32
      %add3A_80 = arith.addi %mul3A_78, %add3A_79 : i32
      %add3A_81 = arith.addi %select_n3A_10, %add3A_80 : i32
      %mul3A_82 = arith.constant 128 : i32
      %mul3A_83 = arith.muli %add3A_81, %mul3A_82 : i32
      %dma_wait3A_84 = tpu.memref_slice %arg3[%mul3A_83] : memref<323840xi32, #tpu.memory_space<hbm>> -> memref<128xi32, #tpu.memory_space<hbm>>
      %dma_wait3A_85 = tpu.memref_slice %arg3[%mul3A_83] : memref<323840xi32, #tpu.memory_space<hbm>> -> memref<128xi32, #tpu.memory_space<hbm>>
      tpu.wait_dma2 semaphore(%arg15 : memref<!tpu.dma_semaphore, #tpu.memory_space<semaphore_mem>>) src(%dma_wait3A_85 : memref<128xi32, #tpu.memory_space<hbm>>) dst(%arg8 : memref<128xi32, #tpu.memory_space<vmem>>)
      %dma_wait3A_86 = tpu.memref_slice %arg4[%mul3A_83] : memref<323840xi32, #tpu.memory_space<hbm>> -> memref<128xi32, #tpu.memory_space<hbm>>
      %dma_wait3A_87 = tpu.memref_slice %arg4[%mul3A_83] : memref<323840xi32, #tpu.memory_space<hbm>> -> memref<128xi32, #tpu.memory_space<hbm>>
      tpu.wait_dma2 semaphore(%arg15 : memref<!tpu.dma_semaphore, #tpu.memory_space<semaphore_mem>>) src(%dma_wait3A_87 : memref<128xi32, #tpu.memory_space<hbm>>) dst(%arg10 : memref<128xi32, #tpu.memory_space<vmem>>)
      %dma_start3A_88 = arith.constant 0 : i32
      %dma_start3A_89 = arith.constant 0 : i32
      %dma_start3A_90 = tpu.memref_slice %arg2[%dma_start3A_88, %dma_start3A_89] : memref<10000x16xf32, #tpu.memory_space<hbm>> -> memref<10000x16xf32, #tpu.memory_space<hbm>>
      tpu.enqueue_indirect_dma source(%dma_start3A_90 : memref<10000x16xf32, #tpu.memory_space<hbm>>) target(%arg12 : memref<128x16xf32, #tpu.memory_space<vmem>>) offsets(%arg8 : memref<128xi32, #tpu.memory_space<vmem>>) semaphore(%arg17 : memref<!tpu.dma_semaphore, #tpu.memory_space<semaphore_mem>>)
      %dma_wait3A_91 = arith.constant 0 : i32
      %dma_wait3A_92 = arith.constant 0 : i32
      %dma_wait3A_93 = tpu.memref_slice %arg2[%dma_wait3A_91, %dma_wait3A_92] : memref<10000x16xf32, #tpu.memory_space<hbm>> -> memref<10000x16xf32, #tpu.memory_space<hbm>>
      tpu.wait_indirect_dma semaphore(%arg16 : memref<!tpu.dma_semaphore, #tpu.memory_space<semaphore_mem>>) src(%dma_wait3A_93 : memref<10000x16xf32, #tpu.memory_space<hbm>>) dst(%arg11 : memref<128x16xf32, #tpu.memory_space<vmem>>)
      "tpu.region"() ({
        %run_scoped3A = tpu.sem_alloc : memref<!tpu.dma_semaphore, #tpu.memory_space<semaphore_mem>>
        %dma_start3A_127 = arith.constant 0 : i32
        %dma_start3A_128 = arith.constant 0 : i32
        %dma_start3A_129 = tpu.memref_slice %arg13[%dma_start3A_127, %dma_start3A_128] : memref<10016x16xf32, #tpu.memory_space<vmem_shared>> -> memref<10016x16xf32, #tpu.memory_space<vmem_shared>>
        tpu.enqueue_indirect_dma source(%arg11 : memref<128x16xf32, #tpu.memory_space<vmem>>) target(%dma_start3A_129 : memref<10016x16xf32, #tpu.memory_space<vmem_shared>>) offsets(%arg9 : memref<128xi32, #tpu.memory_space<vmem>>) semaphore(%run_scoped3A : memref<!tpu.dma_semaphore, #tpu.memory_space<semaphore_mem>>) {add = true}
        %dma_wait3A_130 = arith.constant 0 : i32
        %dma_wait3A_131 = arith.constant 0 : i32
        %dma_wait3A_132 = tpu.memref_slice %arg13[%dma_wait3A_130, %dma_wait3A_131] : memref<10016x16xf32, #tpu.memory_space<vmem_shared>> -> memref<10016x16xf32, #tpu.memory_space<vmem_shared>>
        tpu.wait_indirect_dma semaphore(%run_scoped3A : memref<!tpu.dma_semaphore, #tpu.memory_space<semaphore_mem>>) src(%arg11 : memref<128x16xf32, #tpu.memory_space<vmem>>) dst(%dma_wait3A_132 : memref<10016x16xf32, #tpu.memory_space<vmem_shared>>)
        tpu.yield
      }) : () -> ()
      %add3A_94 = arith.constant 2 : i32
      %add3A_95 = arith.addi %mul3A_78, %add3A_94 : i32
      %add3A_96 = arith.addi %select_n3A_10, %add3A_95 : i32
      %mul3A_97 = arith.constant 128 : i32
      %mul3A_98 = arith.muli %add3A_96, %mul3A_97 : i32
      %dma_start3A_99 = tpu.memref_slice %arg3[%mul3A_98] : memref<323840xi32, #tpu.memory_space<hbm>> -> memref<128xi32, #tpu.memory_space<hbm>>
      %dma_start3A_100 = tpu.memref_slice %arg3[%mul3A_98] : memref<323840xi32, #tpu.memory_space<hbm>> -> memref<128xi32, #tpu.memory_space<hbm>>
      tpu.enqueue_dma source(%dma_start3A_100 : memref<128xi32, #tpu.memory_space<hbm>>) target(%arg7 : memref<128xi32, #tpu.memory_space<vmem>>) target_semaphore(%arg14 : memref<!tpu.dma_semaphore, #tpu.memory_space<semaphore_mem>>)
      %dma_start3A_101 = tpu.memref_slice %arg4[%mul3A_98] : memref<323840xi32, #tpu.memory_space<hbm>> -> memref<128xi32, #tpu.memory_space<hbm>>
      %dma_start3A_102 = tpu.memref_slice %arg4[%mul3A_98] : memref<323840xi32, #tpu.memory_space<hbm>> -> memref<128xi32, #tpu.memory_space<hbm>>
      tpu.enqueue_dma source(%dma_start3A_102 : memref<128xi32, #tpu.memory_space<hbm>>) target(%arg9 : memref<128xi32, #tpu.memory_space<vmem>>) target_semaphore(%arg14 : memref<!tpu.dma_semaphore, #tpu.memory_space<semaphore_mem>>)
      %dma_wait3A_103 = arith.constant 0 : i32
      %dma_wait3A_104 = arith.constant 0 : i32
      %dma_wait3A_105 = tpu.memref_slice %arg2[%dma_wait3A_103, %dma_wait3A_104] : memref<10000x16xf32, #tpu.memory_space<hbm>> -> memref<10000x16xf32, #tpu.memory_space<hbm>>
      tpu.wait_indirect_dma semaphore(%arg17 : memref<!tpu.dma_semaphore, #tpu.memory_space<semaphore_mem>>) src(%dma_wait3A_105 : memref<10000x16xf32, #tpu.memory_space<hbm>>) dst(%arg12 : memref<128x16xf32, #tpu.memory_space<vmem>>)
      "tpu.region"() ({
        %run_scoped3A = tpu.sem_alloc : memref<!tpu.dma_semaphore, #tpu.memory_space<semaphore_mem>>
        %dma_start3A_127 = arith.constant 0 : i32
        %dma_start3A_128 = arith.constant 0 : i32
        %dma_start3A_129 = tpu.memref_slice %arg13[%dma_start3A_127, %dma_start3A_128] : memref<10016x16xf32, #tpu.memory_space<vmem_shared>> -> memref<10016x16xf32, #tpu.memory_space<vmem_shared>>
        tpu.enqueue_indirect_dma source(%arg12 : memref<128x16xf32, #tpu.memory_space<vmem>>) target(%dma_start3A_129 : memref<10016x16xf32, #tpu.memory_space<vmem_shared>>) offsets(%arg10 : memref<128xi32, #tpu.memory_space<vmem>>) semaphore(%run_scoped3A : memref<!tpu.dma_semaphore, #tpu.memory_space<semaphore_mem>>) {add = true}
        %dma_wait3A_130 = arith.constant 0 : i32
        %dma_wait3A_131 = arith.constant 0 : i32
        %dma_wait3A_132 = tpu.memref_slice %arg13[%dma_wait3A_130, %dma_wait3A_131] : memref<10016x16xf32, #tpu.memory_space<vmem_shared>> -> memref<10016x16xf32, #tpu.memory_space<vmem_shared>>
        tpu.wait_indirect_dma semaphore(%run_scoped3A : memref<!tpu.dma_semaphore, #tpu.memory_space<semaphore_mem>>) src(%arg12 : memref<128x16xf32, #tpu.memory_space<vmem>>) dst(%dma_wait3A_132 : memref<10016x16xf32, #tpu.memory_space<vmem_shared>>)
        tpu.yield
      }) : () -> ()
      %add3A_106 = arith.constant 3 : i32
      %add3A_107 = arith.addi %mul3A_78, %add3A_106 : i32
      %add3A_108 = arith.addi %select_n3A_10, %add3A_107 : i32
      %mul3A_109 = arith.constant 128 : i32
      %mul3A_110 = arith.muli %add3A_108, %mul3A_109 : i32
      %dma_start3A_111 = tpu.memref_slice %arg3[%mul3A_110] : memref<323840xi32, #tpu.memory_space<hbm>> -> memref<128xi32, #tpu.memory_space<hbm>>
      %dma_start3A_112 = tpu.memref_slice %arg3[%mul3A_110] : memref<323840xi32, #tpu.memory_space<hbm>> -> memref<128xi32, #tpu.memory_space<hbm>>
      tpu.enqueue_dma source(%dma_start3A_112 : memref<128xi32, #tpu.memory_space<hbm>>) target(%arg8 : memref<128xi32, #tpu.memory_space<vmem>>) target_semaphore(%arg15 : memref<!tpu.dma_semaphore, #tpu.memory_space<semaphore_mem>>)
      %dma_start3A_113 = tpu.memref_slice %arg4[%mul3A_110] : memref<323840xi32, #tpu.memory_space<hbm>> -> memref<128xi32, #tpu.memory_space<hbm>>
      %dma_start3A_114 = tpu.memref_slice %arg4[%mul3A_110] : memref<323840xi32, #tpu.memory_space<hbm>> -> memref<128xi32, #tpu.memory_space<hbm>>
      tpu.enqueue_dma source(%dma_start3A_114 : memref<128xi32, #tpu.memory_space<hbm>>) target(%arg10 : memref<128xi32, #tpu.memory_space<vmem>>) target_semaphore(%arg15 : memref<!tpu.dma_semaphore, #tpu.memory_space<semaphore_mem>>)
      %add3A_115 = arith.constant 2 : i32
      %add3A_116 = arith.addi %mul3A_78, %add3A_115 : i32
      %add3A_117 = arith.addi %select_n3A_10, %add3A_116 : i32
      %mul3A_118 = arith.constant 128 : i32
      %mul3A_119 = arith.muli %add3A_117, %mul3A_118 : i32
      %dma_wait3A_120 = tpu.memref_slice %arg3[%mul3A_119] : memref<323840xi32, #tpu.memory_space<hbm>> -> memref<128xi32, #tpu.memory_space<hbm>>
      %dma_wait3A_121 = tpu.memref_slice %arg3[%mul3A_119] : memref<323840xi32, #tpu.memory_space<hbm>> -> memref<128xi32, #tpu.memory_space<hbm>>
      tpu.wait_dma2 semaphore(%arg14 : memref<!tpu.dma_semaphore, #tpu.memory_space<semaphore_mem>>) src(%dma_wait3A_121 : memref<128xi32, #tpu.memory_space<hbm>>) dst(%arg7 : memref<128xi32, #tpu.memory_space<vmem>>)
      %dma_wait3A_122 = tpu.memref_slice %arg4[%mul3A_119] : memref<323840xi32, #tpu.memory_space<hbm>> -> memref<128xi32, #tpu.memory_space<hbm>>
      %dma_wait3A_123 = tpu.memref_slice %arg4[%mul3A_119] : memref<323840xi32, #tpu.memory_space<hbm>> -> memref<128xi32, #tpu.memory_space<hbm>>
      tpu.wait_dma2 semaphore(%arg14 : memref<!tpu.dma_semaphore, #tpu.memory_space<semaphore_mem>>) src(%dma_wait3A_123 : memref<128xi32, #tpu.memory_space<hbm>>) dst(%arg9 : memref<128xi32, #tpu.memory_space<vmem>>)
      %dma_start3A_124 = arith.constant 0 : i32
      %dma_start3A_125 = arith.constant 0 : i32
      %dma_start3A_126 = tpu.memref_slice %arg2[%dma_start3A_124, %dma_start3A_125] : memref<10000x16xf32, #tpu.memory_space<hbm>> -> memref<10000x16xf32, #tpu.memory_space<hbm>>
      tpu.enqueue_indirect_dma source(%dma_start3A_126 : memref<10000x16xf32, #tpu.memory_space<hbm>>) target(%arg11 : memref<128x16xf32, #tpu.memory_space<vmem>>) offsets(%arg7 : memref<128xi32, #tpu.memory_space<vmem>>) semaphore(%arg16 : memref<!tpu.dma_semaphore, #tpu.memory_space<semaphore_mem>>)
    }
    %dma_wait3A_63 = arith.constant 0 : i32
    %dma_wait3A_64 = arith.constant 0 : i32
    %dma_wait3A_65 = tpu.memref_slice %arg2[%dma_wait3A_63, %dma_wait3A_64] : memref<10000x16xf32, #tpu.memory_space<hbm>> -> memref<10000x16xf32, #tpu.memory_space<hbm>>
    tpu.wait_indirect_dma semaphore(%arg16 : memref<!tpu.dma_semaphore, #tpu.memory_space<semaphore_mem>>) src(%dma_wait3A_65 : memref<10000x16xf32, #tpu.memory_space<hbm>>) dst(%arg11 : memref<128x16xf32, #tpu.memory_space<vmem>>)
    %add3A_66 = arith.constant 1 : i32
    %add3A_67 = arith.addi %select_n3A, %add3A_66 : i32
    %add3A_68 = arith.addi %select_n3A_10, %add3A_67 : i32
    %mul3A_69 = arith.constant 128 : i32
    %mul3A_70 = arith.muli %add3A_68, %mul3A_69 : i32
    %dma_wait3A_71 = tpu.memref_slice %arg3[%mul3A_70] : memref<323840xi32, #tpu.memory_space<hbm>> -> memref<128xi32, #tpu.memory_space<hbm>>
    %dma_wait3A_72 = tpu.memref_slice %arg3[%mul3A_70] : memref<323840xi32, #tpu.memory_space<hbm>> -> memref<128xi32, #tpu.memory_space<hbm>>
    tpu.wait_dma2 semaphore(%arg15 : memref<!tpu.dma_semaphore, #tpu.memory_space<semaphore_mem>>) src(%dma_wait3A_72 : memref<128xi32, #tpu.memory_space<hbm>>) dst(%arg8 : memref<128xi32, #tpu.memory_space<vmem>>)
    %dma_wait3A_73 = tpu.memref_slice %arg4[%mul3A_70] : memref<323840xi32, #tpu.memory_space<hbm>> -> memref<128xi32, #tpu.memory_space<hbm>>
    %dma_wait3A_74 = tpu.memref_slice %arg4[%mul3A_70] : memref<323840xi32, #tpu.memory_space<hbm>> -> memref<128xi32, #tpu.memory_space<hbm>>
    tpu.wait_dma2 semaphore(%arg15 : memref<!tpu.dma_semaphore, #tpu.memory_space<semaphore_mem>>) src(%dma_wait3A_74 : memref<128xi32, #tpu.memory_space<hbm>>) dst(%arg10 : memref<128xi32, #tpu.memory_space<vmem>>)
    %barrier3A_75 = arith.constant 0 : index
    tpu.barrier barrier_id(%barrier3A_75)
    "tpu.region"() ({
      %run_scoped3A = tpu.sem_alloc : memref<!tpu.dma_semaphore, #tpu.memory_space<semaphore_mem>>
      %dma_start3A_76 = arith.constant 0 : i32
      %dma_start3A_77 = tpu.memref_slice %arg6[%arg0, %mul3A_0, %dma_start3A_76] : memref<2x10016x16xf32, #tpu.memory_space<hbm>> -> memref<1x626x16xf32, #tpu.memory_space<hbm>>
      %dma_start3A_78 = tpu.memref_squeeze %dma_start3A_77 : memref<1x626x16xf32, #tpu.memory_space<hbm>> -> memref<626x16xf32, #tpu.memory_space<hbm>>
      %dma_start3A_79 = arith.constant 0 : i32
      %dma_start3A_80 = tpu.memref_slice %arg13[%mul3A_0, %dma_start3A_79] : memref<10016x16xf32, #tpu.memory_space<vmem_shared>> -> memref<626x16xf32, #tpu.memory_space<vmem_shared>>
      tpu.enqueue_dma source(%dma_start3A_80 : memref<626x16xf32, #tpu.memory_space<vmem_shared>>) target(%dma_start3A_78 : memref<626x16xf32, #tpu.memory_space<hbm>>) target_semaphore(%run_scoped3A : memref<!tpu.dma_semaphore, #tpu.memory_space<semaphore_mem>>)
      %dma_wait3A_81 = arith.constant 0 : i32
      %dma_wait3A_82 = tpu.memref_slice %arg6[%arg0, %mul3A_0, %dma_wait3A_81] : memref<2x10016x16xf32, #tpu.memory_space<hbm>> -> memref<1x626x16xf32, #tpu.memory_space<hbm>>
      %dma_wait3A_83 = tpu.memref_squeeze %dma_wait3A_82 : memref<1x626x16xf32, #tpu.memory_space<hbm>> -> memref<626x16xf32, #tpu.memory_space<hbm>>
      %dma_wait3A_84 = arith.constant 0 : i32
      %dma_wait3A_85 = tpu.memref_slice %arg13[%mul3A_0, %dma_wait3A_84] : memref<10016x16xf32, #tpu.memory_space<vmem_shared>> -> memref<626x16xf32, #tpu.memory_space<vmem_shared>>
      tpu.wait_dma2 semaphore(%run_scoped3A : memref<!tpu.dma_semaphore, #tpu.memory_space<semaphore_mem>>) src(%dma_wait3A_85 : memref<626x16xf32, #tpu.memory_space<vmem_shared>>) dst(%dma_wait3A_83 : memref<626x16xf32, #tpu.memory_space<hbm>>)
      tpu.yield
    }) : () -> ()
    return
  }
}

#map = affine_map<(d0, d1) -> (0, 0)>
#map1 = affine_map<(d0, d1) -> (0)>
#map2 = affine_map<(d0, d1) -> (0, 0, 0)>
module attributes {stable_mosaic.version = 14 : i64} {
  func.func @_agg(%arg0: i32, %arg1: i32, %arg2: memref<10000x128xf32, #tpu.memory_space<hbm>>, %arg3: memref<323840xi32, #tpu.memory_space<hbm>>, %arg4: memref<323840xi32, #tpu.memory_space<hbm>>, %arg5: memref<10016x128xf32, #tpu.memory_space<hbm>>, %arg6: memref<2x10016x128xf32, #tpu.memory_space<hbm>>, %arg7: memref<128xi32, #tpu.memory_space<vmem>>, %arg8: memref<128xi32, #tpu.memory_space<vmem>>, %arg9: memref<128x128xf32, #tpu.memory_space<vmem>>, %arg10: memref<10016x128xf32, #tpu.memory_space<vmem_shared>>, %arg11: memref<!tpu.dma_semaphore, #tpu.memory_space<semaphore_mem>>) attributes {dimension_semantics = [#tpu.dimension_semantics<core_parallel>, #tpu.dimension_semantics<subcore_parallel>], iteration_bounds = array<i64: 2, 16>, scalar_prefetch = 0 : i64, scratch_operands = 5 : i64, tpu.core_type = #tpu.core_type<sc_vector_subcore>, window_params = [{transform_indices = #map}, {transform_indices = #map1}, {transform_indices = #map1}, {transform_indices = #map}, {transform_indices = #map2}]} {
    %mul3A = arith.constant 16 : i32
    %mul3A_0 = arith.muli %arg0, %mul3A : i32
    %add3A = arith.addi %mul3A_0, %arg1 : i32
    %mul3A_1 = arith.constant 626 : i32
    %mul3A_2 = arith.muli %arg1, %mul3A_1 : i32
    "tpu.region"() ({
      %run_scoped3A = tpu.sem_alloc : memref<!tpu.dma_semaphore, #tpu.memory_space<semaphore_mem>>
      %dma_start3A = arith.constant 0 : i32
      %dma_start3A_24 = tpu.memref_slice %arg10[%mul3A_2, %dma_start3A] : memref<10016x128xf32, #tpu.memory_space<vmem_shared>> -> memref<626x128xf32, #tpu.memory_space<vmem_shared>>
      %dma_start3A_25 = arith.constant 0 : i32
      %dma_start3A_26 = tpu.memref_slice %arg5[%mul3A_2, %dma_start3A_25] : memref<10016x128xf32, #tpu.memory_space<hbm>> -> memref<626x128xf32, #tpu.memory_space<hbm>>
      tpu.enqueue_dma source(%dma_start3A_26 : memref<626x128xf32, #tpu.memory_space<hbm>>) target(%dma_start3A_24 : memref<626x128xf32, #tpu.memory_space<vmem_shared>>) target_semaphore(%run_scoped3A : memref<!tpu.dma_semaphore, #tpu.memory_space<semaphore_mem>>)
      %dma_wait3A = arith.constant 0 : i32
      %dma_wait3A_27 = tpu.memref_slice %arg10[%mul3A_2, %dma_wait3A] : memref<10016x128xf32, #tpu.memory_space<vmem_shared>> -> memref<626x128xf32, #tpu.memory_space<vmem_shared>>
      %dma_wait3A_28 = arith.constant 0 : i32
      %dma_wait3A_29 = tpu.memref_slice %arg5[%mul3A_2, %dma_wait3A_28] : memref<10016x128xf32, #tpu.memory_space<hbm>> -> memref<626x128xf32, #tpu.memory_space<hbm>>
      tpu.wait_dma2 semaphore(%run_scoped3A : memref<!tpu.dma_semaphore, #tpu.memory_space<semaphore_mem>>) src(%dma_wait3A_29 : memref<626x128xf32, #tpu.memory_space<hbm>>) dst(%dma_wait3A_27 : memref<626x128xf32, #tpu.memory_space<vmem_shared>>)
      tpu.yield
    }) : () -> ()
    %barrier3A = arith.constant 0 : index
    tpu.barrier barrier_id(%barrier3A)
    %eq3A = arith.constant 0 : i32
    %eq3A_3 = arith.cmpi eq, %arg0, %eq3A : i32
    %jit3A = arith.constant 100 : i32
    %jit3A_4 = arith.constant 58 : i32
    %select_n3A = arith.select %eq3A_3, %jit3A, %jit3A_4 : i32
    %eq3A_5 = arith.constant 0 : i32
    %eq3A_6 = arith.cmpi eq, %arg0, %eq3A_5 : i32
    %mul3A_7 = arith.constant 100 : i32
    %mul3A_8 = arith.muli %arg1, %mul3A_7 : i32
    %mul3A_9 = arith.constant 58 : i32
    %mul3A_10 = arith.muli %arg1, %mul3A_9 : i32
    %add3A_11 = arith.constant 1600 : i32
    %add3A_12 = arith.addi %add3A_11, %mul3A_10 : i32
    %select_n3A_13 = arith.select %eq3A_6, %mul3A_8, %add3A_12 : i32
    %while3A = arith.constant 0 : i32
    %while3A_14 = arith.constant 0 : i32
    %while3A_15 = arith.subi %select_n3A, %while3A_14 : i32
    %while3A_16 = arith.addi %while3A_14, %while3A_15 : i32
    %while3A_17 = arith.constant 1 : i32
    %while3A_18 = arith.divsi %while3A_15, %while3A_17 : i32
    %while3A_19 = arith.muli %while3A_18, %while3A_17 : i32
    %while3A_20 = arith.addi %while3A_14, %while3A_19 : i32
    %while3A_21 = arith.constant 1 : i32
    scf.for %while3A_24 = %while3A_14 to %while3A_20 step %while3A_21  : i32 {
      %add3A_25 = arith.addi %select_n3A_13, %while3A_24 : i32
      %mul3A_26 = arith.constant 128 : i32
      %mul3A_27 = arith.muli %add3A_25, %mul3A_26 : i32
      "tpu.region"() ({
        %run_scoped3A = tpu.sem_alloc : memref<!tpu.dma_semaphore, #tpu.memory_space<semaphore_mem>>
        %dma_start3A_32 = tpu.memref_slice %arg3[%mul3A_27] : memref<323840xi32, #tpu.memory_space<hbm>> -> memref<128xi32, #tpu.memory_space<hbm>>
        %dma_start3A_33 = tpu.memref_slice %arg3[%mul3A_27] : memref<323840xi32, #tpu.memory_space<hbm>> -> memref<128xi32, #tpu.memory_space<hbm>>
        tpu.enqueue_dma source(%dma_start3A_33 : memref<128xi32, #tpu.memory_space<hbm>>) target(%arg7 : memref<128xi32, #tpu.memory_space<vmem>>) target_semaphore(%run_scoped3A : memref<!tpu.dma_semaphore, #tpu.memory_space<semaphore_mem>>)
        %dma_wait3A_34 = tpu.memref_slice %arg3[%mul3A_27] : memref<323840xi32, #tpu.memory_space<hbm>> -> memref<128xi32, #tpu.memory_space<hbm>>
        %dma_wait3A_35 = tpu.memref_slice %arg3[%mul3A_27] : memref<323840xi32, #tpu.memory_space<hbm>> -> memref<128xi32, #tpu.memory_space<hbm>>
        tpu.wait_dma2 semaphore(%run_scoped3A : memref<!tpu.dma_semaphore, #tpu.memory_space<semaphore_mem>>) src(%dma_wait3A_35 : memref<128xi32, #tpu.memory_space<hbm>>) dst(%arg7 : memref<128xi32, #tpu.memory_space<vmem>>)
        tpu.yield
      }) : () -> ()
      "tpu.region"() ({
        %run_scoped3A = tpu.sem_alloc : memref<!tpu.dma_semaphore, #tpu.memory_space<semaphore_mem>>
        %dma_start3A_32 = tpu.memref_slice %arg4[%mul3A_27] : memref<323840xi32, #tpu.memory_space<hbm>> -> memref<128xi32, #tpu.memory_space<hbm>>
        %dma_start3A_33 = tpu.memref_slice %arg4[%mul3A_27] : memref<323840xi32, #tpu.memory_space<hbm>> -> memref<128xi32, #tpu.memory_space<hbm>>
        tpu.enqueue_dma source(%dma_start3A_33 : memref<128xi32, #tpu.memory_space<hbm>>) target(%arg8 : memref<128xi32, #tpu.memory_space<vmem>>) target_semaphore(%run_scoped3A : memref<!tpu.dma_semaphore, #tpu.memory_space<semaphore_mem>>)
        %dma_wait3A_34 = tpu.memref_slice %arg4[%mul3A_27] : memref<323840xi32, #tpu.memory_space<hbm>> -> memref<128xi32, #tpu.memory_space<hbm>>
        %dma_wait3A_35 = tpu.memref_slice %arg4[%mul3A_27] : memref<323840xi32, #tpu.memory_space<hbm>> -> memref<128xi32, #tpu.memory_space<hbm>>
        tpu.wait_dma2 semaphore(%run_scoped3A : memref<!tpu.dma_semaphore, #tpu.memory_space<semaphore_mem>>) src(%dma_wait3A_35 : memref<128xi32, #tpu.memory_space<hbm>>) dst(%arg8 : memref<128xi32, #tpu.memory_space<vmem>>)
        tpu.yield
      }) : () -> ()
      %dma_start3A = arith.constant 0 : i32
      %dma_start3A_28 = arith.constant 0 : i32
      %dma_start3A_29 = tpu.memref_slice %arg2[%dma_start3A, %dma_start3A_28] : memref<10000x128xf32, #tpu.memory_space<hbm>> -> memref<10000x128xf32, #tpu.memory_space<hbm>>
      tpu.enqueue_indirect_dma source(%dma_start3A_29 : memref<10000x128xf32, #tpu.memory_space<hbm>>) target(%arg9 : memref<128x128xf32, #tpu.memory_space<vmem>>) offsets(%arg7 : memref<128xi32, #tpu.memory_space<vmem>>) semaphore(%arg11 : memref<!tpu.dma_semaphore, #tpu.memory_space<semaphore_mem>>)
      %dma_wait3A = arith.constant 0 : i32
      %dma_wait3A_30 = arith.constant 0 : i32
      %dma_wait3A_31 = tpu.memref_slice %arg2[%dma_wait3A, %dma_wait3A_30] : memref<10000x128xf32, #tpu.memory_space<hbm>> -> memref<10000x128xf32, #tpu.memory_space<hbm>>
      tpu.wait_indirect_dma semaphore(%arg11 : memref<!tpu.dma_semaphore, #tpu.memory_space<semaphore_mem>>) src(%dma_wait3A_31 : memref<10000x128xf32, #tpu.memory_space<hbm>>) dst(%arg9 : memref<128x128xf32, #tpu.memory_space<vmem>>)
      "tpu.region"() ({
        %run_scoped3A = tpu.sem_alloc : memref<!tpu.dma_semaphore, #tpu.memory_space<semaphore_mem>>
        %dma_start3A_32 = arith.constant 0 : i32
        %dma_start3A_33 = arith.constant 0 : i32
        %dma_start3A_34 = tpu.memref_slice %arg10[%dma_start3A_32, %dma_start3A_33] : memref<10016x128xf32, #tpu.memory_space<vmem_shared>> -> memref<10016x128xf32, #tpu.memory_space<vmem_shared>>
        tpu.enqueue_indirect_dma source(%arg9 : memref<128x128xf32, #tpu.memory_space<vmem>>) target(%dma_start3A_34 : memref<10016x128xf32, #tpu.memory_space<vmem_shared>>) offsets(%arg8 : memref<128xi32, #tpu.memory_space<vmem>>) semaphore(%run_scoped3A : memref<!tpu.dma_semaphore, #tpu.memory_space<semaphore_mem>>) {add = true}
        %dma_wait3A_35 = arith.constant 0 : i32
        %dma_wait3A_36 = arith.constant 0 : i32
        %dma_wait3A_37 = tpu.memref_slice %arg10[%dma_wait3A_35, %dma_wait3A_36] : memref<10016x128xf32, #tpu.memory_space<vmem_shared>> -> memref<10016x128xf32, #tpu.memory_space<vmem_shared>>
        tpu.wait_indirect_dma semaphore(%run_scoped3A : memref<!tpu.dma_semaphore, #tpu.memory_space<semaphore_mem>>) src(%arg9 : memref<128x128xf32, #tpu.memory_space<vmem>>) dst(%dma_wait3A_37 : memref<10016x128xf32, #tpu.memory_space<vmem_shared>>)
        tpu.yield
      }) : () -> ()
    }
    %while3A_22 = arith.constant 1 : i32
    scf.for %while3A_24 = %while3A_20 to %while3A_16 step %while3A_22  : i32 {
      %add3A_25 = arith.addi %select_n3A_13, %while3A_24 : i32
      %mul3A_26 = arith.constant 128 : i32
      %mul3A_27 = arith.muli %add3A_25, %mul3A_26 : i32
      "tpu.region"() ({
        %run_scoped3A = tpu.sem_alloc : memref<!tpu.dma_semaphore, #tpu.memory_space<semaphore_mem>>
        %dma_start3A_32 = tpu.memref_slice %arg3[%mul3A_27] : memref<323840xi32, #tpu.memory_space<hbm>> -> memref<128xi32, #tpu.memory_space<hbm>>
        %dma_start3A_33 = tpu.memref_slice %arg3[%mul3A_27] : memref<323840xi32, #tpu.memory_space<hbm>> -> memref<128xi32, #tpu.memory_space<hbm>>
        tpu.enqueue_dma source(%dma_start3A_33 : memref<128xi32, #tpu.memory_space<hbm>>) target(%arg7 : memref<128xi32, #tpu.memory_space<vmem>>) target_semaphore(%run_scoped3A : memref<!tpu.dma_semaphore, #tpu.memory_space<semaphore_mem>>)
        %dma_wait3A_34 = tpu.memref_slice %arg3[%mul3A_27] : memref<323840xi32, #tpu.memory_space<hbm>> -> memref<128xi32, #tpu.memory_space<hbm>>
        %dma_wait3A_35 = tpu.memref_slice %arg3[%mul3A_27] : memref<323840xi32, #tpu.memory_space<hbm>> -> memref<128xi32, #tpu.memory_space<hbm>>
        tpu.wait_dma2 semaphore(%run_scoped3A : memref<!tpu.dma_semaphore, #tpu.memory_space<semaphore_mem>>) src(%dma_wait3A_35 : memref<128xi32, #tpu.memory_space<hbm>>) dst(%arg7 : memref<128xi32, #tpu.memory_space<vmem>>)
        tpu.yield
      }) : () -> ()
      "tpu.region"() ({
        %run_scoped3A = tpu.sem_alloc : memref<!tpu.dma_semaphore, #tpu.memory_space<semaphore_mem>>
        %dma_start3A_32 = tpu.memref_slice %arg4[%mul3A_27] : memref<323840xi32, #tpu.memory_space<hbm>> -> memref<128xi32, #tpu.memory_space<hbm>>
        %dma_start3A_33 = tpu.memref_slice %arg4[%mul3A_27] : memref<323840xi32, #tpu.memory_space<hbm>> -> memref<128xi32, #tpu.memory_space<hbm>>
        tpu.enqueue_dma source(%dma_start3A_33 : memref<128xi32, #tpu.memory_space<hbm>>) target(%arg8 : memref<128xi32, #tpu.memory_space<vmem>>) target_semaphore(%run_scoped3A : memref<!tpu.dma_semaphore, #tpu.memory_space<semaphore_mem>>)
        %dma_wait3A_34 = tpu.memref_slice %arg4[%mul3A_27] : memref<323840xi32, #tpu.memory_space<hbm>> -> memref<128xi32, #tpu.memory_space<hbm>>
        %dma_wait3A_35 = tpu.memref_slice %arg4[%mul3A_27] : memref<323840xi32, #tpu.memory_space<hbm>> -> memref<128xi32, #tpu.memory_space<hbm>>
        tpu.wait_dma2 semaphore(%run_scoped3A : memref<!tpu.dma_semaphore, #tpu.memory_space<semaphore_mem>>) src(%dma_wait3A_35 : memref<128xi32, #tpu.memory_space<hbm>>) dst(%arg8 : memref<128xi32, #tpu.memory_space<vmem>>)
        tpu.yield
      }) : () -> ()
      %dma_start3A = arith.constant 0 : i32
      %dma_start3A_28 = arith.constant 0 : i32
      %dma_start3A_29 = tpu.memref_slice %arg2[%dma_start3A, %dma_start3A_28] : memref<10000x128xf32, #tpu.memory_space<hbm>> -> memref<10000x128xf32, #tpu.memory_space<hbm>>
      tpu.enqueue_indirect_dma source(%dma_start3A_29 : memref<10000x128xf32, #tpu.memory_space<hbm>>) target(%arg9 : memref<128x128xf32, #tpu.memory_space<vmem>>) offsets(%arg7 : memref<128xi32, #tpu.memory_space<vmem>>) semaphore(%arg11 : memref<!tpu.dma_semaphore, #tpu.memory_space<semaphore_mem>>)
      %dma_wait3A = arith.constant 0 : i32
      %dma_wait3A_30 = arith.constant 0 : i32
      %dma_wait3A_31 = tpu.memref_slice %arg2[%dma_wait3A, %dma_wait3A_30] : memref<10000x128xf32, #tpu.memory_space<hbm>> -> memref<10000x128xf32, #tpu.memory_space<hbm>>
      tpu.wait_indirect_dma semaphore(%arg11 : memref<!tpu.dma_semaphore, #tpu.memory_space<semaphore_mem>>) src(%dma_wait3A_31 : memref<10000x128xf32, #tpu.memory_space<hbm>>) dst(%arg9 : memref<128x128xf32, #tpu.memory_space<vmem>>)
      "tpu.region"() ({
        %run_scoped3A = tpu.sem_alloc : memref<!tpu.dma_semaphore, #tpu.memory_space<semaphore_mem>>
        %dma_start3A_32 = arith.constant 0 : i32
        %dma_start3A_33 = arith.constant 0 : i32
        %dma_start3A_34 = tpu.memref_slice %arg10[%dma_start3A_32, %dma_start3A_33] : memref<10016x128xf32, #tpu.memory_space<vmem_shared>> -> memref<10016x128xf32, #tpu.memory_space<vmem_shared>>
        tpu.enqueue_indirect_dma source(%arg9 : memref<128x128xf32, #tpu.memory_space<vmem>>) target(%dma_start3A_34 : memref<10016x128xf32, #tpu.memory_space<vmem_shared>>) offsets(%arg8 : memref<128xi32, #tpu.memory_space<vmem>>) semaphore(%run_scoped3A : memref<!tpu.dma_semaphore, #tpu.memory_space<semaphore_mem>>) {add = true}
        %dma_wait3A_35 = arith.constant 0 : i32
        %dma_wait3A_36 = arith.constant 0 : i32
        %dma_wait3A_37 = tpu.memref_slice %arg10[%dma_wait3A_35, %dma_wait3A_36] : memref<10016x128xf32, #tpu.memory_space<vmem_shared>> -> memref<10016x128xf32, #tpu.memory_space<vmem_shared>>
        tpu.wait_indirect_dma semaphore(%run_scoped3A : memref<!tpu.dma_semaphore, #tpu.memory_space<semaphore_mem>>) src(%arg9 : memref<128x128xf32, #tpu.memory_space<vmem>>) dst(%dma_wait3A_37 : memref<10016x128xf32, #tpu.memory_space<vmem_shared>>)
        tpu.yield
      }) : () -> ()
    }
    %barrier3A_23 = arith.constant 0 : index
    tpu.barrier barrier_id(%barrier3A_23)
    "tpu.region"() ({
      %run_scoped3A = tpu.sem_alloc : memref<!tpu.dma_semaphore, #tpu.memory_space<semaphore_mem>>
      %dma_start3A = arith.constant 0 : i32
      %dma_start3A_24 = tpu.memref_slice %arg6[%arg0, %mul3A_2, %dma_start3A] : memref<2x10016x128xf32, #tpu.memory_space<hbm>> -> memref<1x626x128xf32, #tpu.memory_space<hbm>>
      %dma_start3A_25 = tpu.memref_squeeze %dma_start3A_24 : memref<1x626x128xf32, #tpu.memory_space<hbm>> -> memref<626x128xf32, #tpu.memory_space<hbm>>
      %dma_start3A_26 = arith.constant 0 : i32
      %dma_start3A_27 = tpu.memref_slice %arg10[%mul3A_2, %dma_start3A_26] : memref<10016x128xf32, #tpu.memory_space<vmem_shared>> -> memref<626x128xf32, #tpu.memory_space<vmem_shared>>
      tpu.enqueue_dma source(%dma_start3A_27 : memref<626x128xf32, #tpu.memory_space<vmem_shared>>) target(%dma_start3A_25 : memref<626x128xf32, #tpu.memory_space<hbm>>) target_semaphore(%run_scoped3A : memref<!tpu.dma_semaphore, #tpu.memory_space<semaphore_mem>>)
      %dma_wait3A = arith.constant 0 : i32
      %dma_wait3A_28 = tpu.memref_slice %arg6[%arg0, %mul3A_2, %dma_wait3A] : memref<2x10016x128xf32, #tpu.memory_space<hbm>> -> memref<1x626x128xf32, #tpu.memory_space<hbm>>
      %dma_wait3A_29 = tpu.memref_squeeze %dma_wait3A_28 : memref<1x626x128xf32, #tpu.memory_space<hbm>> -> memref<626x128xf32, #tpu.memory_space<hbm>>
      %dma_wait3A_30 = arith.constant 0 : i32
      %dma_wait3A_31 = tpu.memref_slice %arg10[%mul3A_2, %dma_wait3A_30] : memref<10016x128xf32, #tpu.memory_space<vmem_shared>> -> memref<626x128xf32, #tpu.memory_space<vmem_shared>>
      tpu.wait_dma2 semaphore(%run_scoped3A : memref<!tpu.dma_semaphore, #tpu.memory_space<semaphore_mem>>) src(%dma_wait3A_31 : memref<626x128xf32, #tpu.memory_space<vmem_shared>>) dst(%dma_wait3A_29 : memref<626x128xf32, #tpu.memory_space<hbm>>)
      tpu.yield
    }) : () -> ()
    return
  }
}

module attributes {stable_mosaic.version = 14 : i64} {
  func.func @_mm_body(%arg0: memref<10000x128xf32, #tpu.memory_space<vmem>>, %arg1: memref<128x128xf32, #tpu.memory_space<vmem>>, %arg2: memref<10000x128xf32, #tpu.memory_space<vmem>>) attributes {dimension_semantics = [], scalar_prefetch = 0 : i64, scratch_operands = 0 : i64, tpu.core_type = #tpu.core_type<tc>} {
    %get3A = arith.constant 0 : index
    %get3A_0 = arith.constant 0 : index
    %get3A_1 = vector.load %arg0[%get3A, %get3A_0] : memref<10000x128xf32, #tpu.memory_space<vmem>>, vector<10000x128xf32>
    %get3A_2 = arith.constant 0 : index
    %get3A_3 = arith.constant 0 : index
    %get3A_4 = vector.load %arg1[%get3A_2, %get3A_3] : memref<128x128xf32, #tpu.memory_space<vmem>>, vector<128x128xf32>
    %dot_general3A = arith.constant dense<0.000000e+00> : vector<10000x128xf32>
    %dot_general3A_5 = tpu.matmul %get3A_1, %get3A_4, %dot_general3A {dimension_numbers = #tpu.dot_dimension_numbers<[1], [0], [0], [1], [0, 0, 1, 1], [], []>, transpose_lhs_hint = false} : vector<10000x128xf32>, vector<128x128xf32>, vector<10000x128xf32> -> vector<10000x128xf32>
    %swap3A = arith.constant 0 : index
    %swap3A_6 = arith.constant 0 : index
    %swap3A_7 = vector.load %arg2[%swap3A, %swap3A_6] : memref<10000x128xf32, #tpu.memory_space<vmem>>, vector<10000x128xf32>
    tpu.vector_store %arg2[%swap3A, %swap3A_6], %dot_general3A_5 {strides = array<i32>} : memref<10000x128xf32, #tpu.memory_space<vmem>>, vector<10000x128xf32>,
    return
  }
}

module attributes {stable_mosaic.version = 14 : i64} {
  func.func @_norm_scale_body(%arg0: memref<32x10016xf32, #tpu.memory_space<vmem>>, %arg1: memref<10000x128xf32, #tpu.memory_space<vmem>>, %arg2: memref<10000x128xf32, #tpu.memory_space<vmem>>, %arg3: memref<10000xf32, #tpu.memory_space<vmem>>) attributes {dimension_semantics = [], scalar_prefetch = 0 : i64, scratch_operands = 0 : i64, tpu.core_type = #tpu.core_type<tc>} {
    %get3A = arith.constant 0 : index
    %get3A_0 = arith.constant 0 : index
    %get3A_1 = vector.load %arg0[%get3A, %get3A_0] : memref<32x10016xf32, #tpu.memory_space<vmem>>, vector<32x10016xf32>
    %reduce_sum3A = arith.constant dense<0.000000e+00> : vector<10016xf32>
    %reduce_sum3A_2 = vector.multi_reduction <add>, %get3A_1, %reduce_sum3A [0] : vector<32x10016xf32> to vector<10016xf32>
    %slice3A = vector.extract_strided_slice %reduce_sum3A_2 {offsets = [0], sizes = [10000], strides = [1]} : vector<10016xf32> to vector<10000xf32>
    %add3A = arith.constant 1.000000e+00 : f32
    %add3A_3 = vector.broadcast %add3A : f32 to vector<10000xf32>
    %add3A_4 = arith.addf %slice3A, %add3A_3 : vector<10000xf32>
    %rsqrt3A = math.rsqrt %add3A_4 : vector<10000xf32>
    %swap3A = arith.constant 0 : index
    %swap3A_5 = vector.load %arg3[%swap3A] : memref<10000xf32, #tpu.memory_space<vmem>>, vector<10000xf32>
    tpu.vector_store %arg3[%swap3A], %rsqrt3A {strides = array<i32>} : memref<10000xf32, #tpu.memory_space<vmem>>, vector<10000xf32>,
    %get3A_6 = arith.constant 0 : index
    %get3A_7 = arith.constant 0 : index
    %get3A_8 = vector.load %arg1[%get3A_6, %get3A_7] : memref<10000x128xf32, #tpu.memory_space<vmem>>, vector<10000x128xf32>
    %broadcast_in_dim3A = vector.shape_cast %rsqrt3A : vector<10000xf32> to vector<10000x1xf32>
    %mul3A = vector.broadcast %broadcast_in_dim3A : vector<10000x1xf32> to vector<10000x128xf32>
    %mul3A_9 = arith.mulf %get3A_8, %mul3A : vector<10000x128xf32>
    %swap3A_10 = arith.constant 0 : index
    %swap3A_11 = arith.constant 0 : index
    %swap3A_12 = vector.load %arg2[%swap3A_10, %swap3A_11] : memref<10000x128xf32, #tpu.memory_space<vmem>>, vector<10000x128xf32>
    tpu.vector_store %arg2[%swap3A_10, %swap3A_11], %mul3A_9 {strides = array<i32>} : memref<10000x128xf32, #tpu.memory_space<vmem>>, vector<10000x128xf32>,
    return
  }
}

module attributes {stable_mosaic.version = 14 : i64} {
  func.func @_mid_body(%arg0: memref<2x10016x128xf32, #tpu.memory_space<vmem>>, %arg1: memref<10000x128xf32, #tpu.memory_space<vmem>>, %arg2: memref<10000xf32, #tpu.memory_space<vmem>>, %arg3: memref<128xf32, #tpu.memory_space<vmem>>, %arg4: memref<128x16xf32, #tpu.memory_space<vmem>>, %arg5: memref<10000x16xf32, #tpu.memory_space<vmem>>) attributes {dimension_semantics = [], scalar_prefetch = 0 : i64, scratch_operands = 0 : i64, tpu.core_type = #tpu.core_type<tc>} {
    %get3A = arith.constant 0 : index
    %get3A_0 = arith.constant 0 : index
    %get3A_1 = arith.constant 0 : index
    %get3A_2 = vector.load %arg0[%get3A, %get3A_0, %get3A_1] : memref<2x10016x128xf32, #tpu.memory_space<vmem>>, vector<1x10000x128xf32>
    %get3A_3 = vector.shape_cast %get3A_2 : vector<1x10000x128xf32> to vector<10000x128xf32>
    %get3A_4 = arith.constant 1 : index
    %get3A_5 = arith.constant 0 : index
    %get3A_6 = arith.constant 0 : index
    %get3A_7 = vector.load %arg0[%get3A_4, %get3A_5, %get3A_6] : memref<2x10016x128xf32, #tpu.memory_space<vmem>>, vector<1x10000x128xf32>
    %get3A_8 = vector.shape_cast %get3A_7 : vector<1x10000x128xf32> to vector<10000x128xf32>
    %add3A = arith.addf %get3A_3, %get3A_8 : vector<10000x128xf32>
    %get3A_9 = arith.constant 0 : index
    %get3A_10 = vector.load %arg2[%get3A_9] : memref<10000xf32, #tpu.memory_space<vmem>>, vector<10000xf32>
    %get3A_11 = arith.constant 0 : index
    %get3A_12 = arith.constant 0 : index
    %get3A_13 = vector.load %arg1[%get3A_11, %get3A_12] : memref<10000x128xf32, #tpu.memory_space<vmem>>, vector<10000x128xf32>
    %add3A_14 = arith.addf %add3A, %get3A_13 : vector<10000x128xf32>
    %broadcast_in_dim3A = vector.shape_cast %get3A_10 : vector<10000xf32> to vector<10000x1xf32>
    %mul3A = vector.broadcast %broadcast_in_dim3A : vector<10000x1xf32> to vector<10000x128xf32>
    %mul3A_15 = arith.mulf %add3A_14, %mul3A : vector<10000x128xf32>
    %get3A_16 = arith.constant 0 : index
    %get3A_17 = vector.load %arg3[%get3A_16] : memref<128xf32, #tpu.memory_space<vmem>>, vector<128xf32>
    %broadcast_in_dim3A_18 = vector.shape_cast %get3A_17 : vector<128xf32> to vector<1x128xf32>
    %add3A_19 = vector.broadcast %broadcast_in_dim3A_18 : vector<1x128xf32> to vector<10000x128xf32>
    %add3A_20 = arith.addf %mul3A_15, %add3A_19 : vector<10000x128xf32>
    %max3A = arith.constant 0.000000e+00 : f32
    %max3A_21 = vector.broadcast %max3A : f32 to vector<10000x128xf32>
    %max3A_22 = arith.maximumf %add3A_20, %max3A_21 : vector<10000x128xf32>
    %get3A_23 = arith.constant 0 : index
    %get3A_24 = arith.constant 0 : index
    %get3A_25 = vector.load %arg4[%get3A_23, %get3A_24] : memref<128x16xf32, #tpu.memory_space<vmem>>, vector<128x16xf32>
    %dot_general3A = arith.constant dense<0.000000e+00> : vector<10000x16xf32>
    %dot_general3A_26 = tpu.matmul %max3A_22, %get3A_25, %dot_general3A {dimension_numbers = #tpu.dot_dimension_numbers<[1], [0], [0], [1], [0, 0, 1, 1], [], []>, transpose_lhs_hint = false} : vector<10000x128xf32>, vector<128x16xf32>, vector<10000x16xf32> -> vector<10000x16xf32>
    %broadcast_in_dim3A_27 = vector.shape_cast %get3A_10 : vector<10000xf32> to vector<10000x1xf32>
    %mul3A_28 = vector.broadcast %broadcast_in_dim3A_27 : vector<10000x1xf32> to vector<10000x16xf32>
    %mul3A_29 = arith.mulf %dot_general3A_26, %mul3A_28 : vector<10000x16xf32>
    %swap3A = arith.constant 0 : index
    %swap3A_30 = arith.constant 0 : index
    %swap3A_31 = vector.load %arg5[%swap3A, %swap3A_30] : memref<10000x16xf32, #tpu.memory_space<vmem>>, vector<10000x16xf32>
    tpu.vector_store %arg5[%swap3A, %swap3A_30], %mul3A_29 {strides = array<i32>} : memref<10000x16xf32, #tpu.memory_space<vmem>>, vector<10000x16xf32>,
    return
  }
}

module attributes {stable_mosaic.version = 14 : i64} {
  func.func @_fin_body(%arg0: memref<2x10016x16xf32, #tpu.memory_space<vmem>>, %arg1: memref<10000x16xf32, #tpu.memory_space<vmem>>, %arg2: memref<10000xf32, #tpu.memory_space<vmem>>, %arg3: memref<16xf32, #tpu.memory_space<vmem>>, %arg4: memref<1xf32, #tpu.memory_space<vmem>>, %arg5: memref<10000x16xf32, #tpu.memory_space<vmem>>, %arg6: memref<10000x16xf32, #tpu.memory_space<vmem>>) attributes {dimension_semantics = [], scalar_prefetch = 0 : i64, scratch_operands = 0 : i64, tpu.core_type = #tpu.core_type<tc>} {
    %get3A = arith.constant 0 : index
    %get3A_0 = arith.constant 0 : index
    %get3A_1 = arith.constant 0 : index
    %get3A_2 = vector.load %arg0[%get3A, %get3A_0, %get3A_1] : memref<2x10016x16xf32, #tpu.memory_space<vmem>>, vector<1x10000x16xf32>
    %get3A_3 = vector.shape_cast %get3A_2 : vector<1x10000x16xf32> to vector<10000x16xf32>
    %get3A_4 = arith.constant 1 : index
    %get3A_5 = arith.constant 0 : index
    %get3A_6 = arith.constant 0 : index
    %get3A_7 = vector.load %arg0[%get3A_4, %get3A_5, %get3A_6] : memref<2x10016x16xf32, #tpu.memory_space<vmem>>, vector<1x10000x16xf32>
    %get3A_8 = vector.shape_cast %get3A_7 : vector<1x10000x16xf32> to vector<10000x16xf32>
    %add3A = arith.addf %get3A_3, %get3A_8 : vector<10000x16xf32>
    %get3A_9 = arith.constant 0 : index
    %get3A_10 = arith.constant 0 : index
    %get3A_11 = vector.load %arg1[%get3A_9, %get3A_10] : memref<10000x16xf32, #tpu.memory_space<vmem>>, vector<10000x16xf32>
    %add3A_12 = arith.addf %add3A, %get3A_11 : vector<10000x16xf32>
    %get3A_13 = arith.constant 0 : index
    %get3A_14 = vector.load %arg2[%get3A_13] : memref<10000xf32, #tpu.memory_space<vmem>>, vector<10000xf32>
    %broadcast_in_dim3A = vector.shape_cast %get3A_14 : vector<10000xf32> to vector<10000x1xf32>
    %mul3A = vector.broadcast %broadcast_in_dim3A : vector<10000x1xf32> to vector<10000x16xf32>
    %mul3A_15 = arith.mulf %add3A_12, %mul3A : vector<10000x16xf32>
    %get3A_16 = arith.constant 0 : index
    %get3A_17 = vector.load %arg3[%get3A_16] : memref<16xf32, #tpu.memory_space<vmem>>, vector<16xf32>
    %broadcast_in_dim3A_18 = vector.shape_cast %get3A_17 : vector<16xf32> to vector<1x16xf32>
    %add3A_19 = vector.broadcast %broadcast_in_dim3A_18 : vector<1x16xf32> to vector<10000x16xf32>
    %add3A_20 = arith.addf %mul3A_15, %add3A_19 : vector<10000x16xf32>
    %logistic3A = arith.negf %add3A_20 : vector<10000x16xf32>
    %logistic3A_21 = math.exp %logistic3A : vector<10000x16xf32>
    %logistic3A_22 = arith.constant 1.000000e+00 : f32
    %logistic3A_23 = vector.broadcast %logistic3A_22 : f32 to vector<10000x16xf32>
    %logistic3A_24 = arith.addf %logistic3A_23, %logistic3A_21 : vector<10000x16xf32>
    %logistic3A_25 = arith.divf %logistic3A_23, %logistic3A_24 : vector<10000x16xf32>
    %swap3A = arith.constant 0 : index
    %swap3A_26 = arith.constant 0 : index
    %swap3A_27 = vector.load %arg6[%swap3A, %swap3A_26] : memref<10000x16xf32, #tpu.memory_space<vmem>>, vector<10000x16xf32>
    tpu.vector_store %arg6[%swap3A, %swap3A_26], %logistic3A_25 {strides = array<i32>} : memref<10000x16xf32, #tpu.memory_space<vmem>>, vector<10000x16xf32>,
    %get3A_28 = arith.constant 0 : index
    %get3A_29 = vector.load %arg4[%get3A_28] : memref<1xf32, #tpu.memory_space<vmem>>, vector<1xf32>
    %get3A_30 = vector.extract %get3A_29[0] : f32 from vector<1xf32>
    %gt3A = vector.broadcast %get3A_30 : f32 to vector<10000x16xf32>
    %gt3A_31 = arith.cmpf ogt, %logistic3A_25, %gt3A : vector<10000x16xf32>
    %convert_element_type3A = arith.extui %gt3A_31 : vector<10000x16xi1> to vector<10000x16xi32>
    %convert_element_type3A_32 = arith.sitofp %convert_element_type3A : vector<10000x16xi32> to vector<10000x16xf32>
    %swap3A_33 = arith.constant 0 : index
    %swap3A_34 = arith.constant 0 : index
    %swap3A_35 = vector.load %arg5[%swap3A_33, %swap3A_34] : memref<10000x16xf32, #tpu.memory_space<vmem>>, vector<10000x16xf32>
    tpu.vector_store %arg5[%swap3A_33, %swap3A_34], %convert_element_type3A_32 {strides = array<i32>} : memref<10000x16xf32, #tpu.memory_space<vmem>>, vector<10000x16xf32>,
    return
  }
}

</mosaic_0001>

<sc_bundles>
// kernel: kernel.12.cloned.1.call-start
scs
__scs_entry_jumppad:
0x0: {  	(pc) =	sbr.rel $0x88, $3  }
0x1: {  	(tag) =	ssettag $0x0;
	lr =	simm.s32 $0x1  }
0x2: {  	[smem:$0x3F9A] =	sst lr;
	_ =	strace $0xD0000000  }
0x3: {  	_ = 	snop  }
0x4: {  	_ = 	snop  }
0x5: {  	_ = 	snop  }
0x6: {  	_ = 	snop  }
0x7: {  	_ = 	snop  }
__scs_overlays_trampoline_lowered:
0x8: {  	[smem:$0x3FA9] =	sst s0  }
0x9: {  	[smem:$0x3FAA] =	sst s1  }
0xa: {  	[smem:$0x3FAB] =	sst s2  }
0xb: {  	[smem:$0x3FAC] =	sst s3  }
0xc: {  	[smem:$0x3FAD] =	sst s4  }
0xd: {  	[smem:$0x3FAE] =	sst s5  }
0xe: {  	[smem:$0x3FAF] =	sst s6  }
0xf: {  	[smem:$0x3FB0] =	sst s7  }
0x10: {  	[smem:$0x3FB1] =	sst s8  }
0x11: {  	[smem:$0x3FB2] =	sst s9;
	s0 =	simm.s32 @!p0 $0x0  }
0x12: {  	s1 =	sld [smem:$0x3F98];
	s0 =	simm.s32 @p0 $0x1  }
0x13: {  	[smem:$0x3FB3] =	sst s0;
	s0 =	simm.s32 @!p1 $0x0  }
0x14: {  	s2 =	sld [smem:$0x3F97];
	s0 =	simm.s32 @p1 $0x1  }
0x15: {  	[smem:$0x3FB4] =	sst s0;
	s0 =	simm.s32 @!p2 $0x0  }
0x16: {  	s3 =	sld [smem:$0x3FDB];
	s0 =	simm.s32 @p2 $0x1  }
0x17: {  	s4 =	simm.s32 $0x1BF5;
	[smem:$0x3FB6] =	sst s0  }
0x18: {  	s0 =	sld [smem:$0x3F99];
	_ =	swait.ge [sflag:s4], $0x0  }
0x19: {  	s7 =	sld [smem:$0x3F9A]  }
0x1a: {  	s8 =	sadd.s32 $0xFFFFE003, lr  }
0x1b: {  	s9 =	sadd.s32 $0xFFFFFEF7, lr;
	s5 =	simm.s32 $0xFFFFFFFF;
	p2 =	slt.u32 s8, $0xFFFFF086  }
0x1c: {  	p1 =	slt.u32 s9, $0xF7A;
	s5 =	simm.s32 @!p2 $0x0  }
0x1d: {  	s5 =	simm.s32 @p1 $0x1;
	p0 =	seq.s32 s7, s2  }
0x1e: {  	s7 =	smul.u32 @!p0 $0xF7A, s2;
	p2 =	seq.s32 @!p0 s5, $0x0  }
0x1f: {  	s9 =	smul.u32 $0xF7A, s1;
	s8 =	simm.s32 @!p0 $0x1BF5;
	p2 =	por !p2, p0  }
0x20: {  	[sflag:s8] =	ssyncset.s32 @!p0 $0xFFFFF086;
	s6 =	sadd.s32 @!p0 s3, s7;
	s7 =	simm.s32 @!p0 $0x108  }
0x21: {  	s3 =	sadd.s32 s3, s9;
	s6 =	sadd.s32 @!p0 $0x88, s6;
	s7 =	simm.s32 @p2 $0x1082  }
0x22: {  	[simem:s7], [sflag:s8] =	dma.local @!p0 [hbm:s6], $0xF7A  }
0x23: {  	s9 =	sor.u32 $0xD0000000, s2;
	s6 =	simm.s32 $0x108;
	_ =	swait.ge @!p0 [sflag:s8], $0x0  }
0x24: {  	s3 =	sadd.s32 $0x88, s3;
	s6 =	simm.s32 @!p1 $0x1082;
	[sflag:s4] =	ssyncset.s32 $0xFFFFF086  }
0x25: {  	[simem:s6], [sflag:s4] =	dma.local [hbm:s3], $0xF7A  }
0x26: {  	[smem:$0x3F9A] =	sst s1;
	(tag) =	ssettag s2;
	_ =	strace s9  }
0x27: {  	s1 =	sld [smem:$0x3FAA]  }
0x28: {  	s2 =	sld [smem:$0x3FAB]  }
0x29: {  	s4 =	sld [smem:$0x3FAD]  }
0x2a: {  	p0 =	seq.s32 s5, $0x0;
	s5 =	sld [smem:$0x3FAE]  }
0x2b: {  	s6 =	sld [smem:$0x3FAF]  }
0x2c: {  	s7 =	sld [smem:$0x3FB0]  }
0x2d: {  	s3 =	simm.s32 $0x108;
	s8 =	sld [smem:$0x3FB1]  }
0x2e: {  	s3 =	simm.s32 @!p0 $0x1082;
	s9 =	sld [smem:$0x3FB2]  }
0x2f: {  	lr =	sadd.s32 s0, s3;
	s0 =	sld [smem:$0x3FA9]  }
0x30: {  	s3 =	sld [smem:$0x3FAC]  }
0x31: {  	[smem:$0x3FB5] =	sst s10  }
0x32: {  	s10 =	sld [smem:$0x3FB3];
	_ =	sdelay $0x3  }
0x33: {  	p0 =	seq.s32 s10, $0x1;
	s10 =	sld [smem:$0x3FB5];
	_ =	sdelay $0x3  }
0x34: {  	[smem:$0x3FB5] =	sst s10  }
0x35: {  	s10 =	sld [smem:$0x3FB4];
	_ =	sdelay $0x3  }
0x36: {  	p1 =	seq.s32 s10, $0x1;
	s10 =	sld [smem:$0x3FB5];
	_ =	sdelay $0x3  }
0x37: {  	[smem:$0x3FB5] =	sst s10  }
0x38: {  	s10 =	sld [smem:$0x3FB6]  }
0x39: {  	_ = 	snop;
	(pc) =	sbr.ind lr, $3  }
0x3a: {  	_ = 	snop  }
0x3b: {  	_ = 	snop  }
0x3c: {  	p2 =	seq.s32 s10, $0x1;
	s10 =	sld [smem:$0x3FB5]  }
0x3d: {  	_ =	shalt  }
0x3e: {  	_ =	shalt  }
0x3f: {  	_ =	shalt  }
0x40: {  	_ =	shalt  }
0x41: {  	_ =	shalt  }
0x42: {  	_ =	shalt  }
0x43: {  	_ =	shalt  }
0x44: {  	_ =	shalt  }
0x45: {  	_ =	shalt  }
0x46: {  	_ =	shalt  }
0x47: {  	_ =	shalt  }
0x48: {  	_ =	shalt  }
0x49: {  	_ =	shalt  }
0x4a: {  	_ =	shalt  }
0x4b: {  	_ =	shalt  }
0x4c: {  	_ =	shalt  }
0x4d: {  	_ =	shalt  }
0x4e: {  	_ =	shalt  }
0x4f: {  	_ =	shalt  }
0x50: {  	_ =	shalt  }
0x51: {  	_ =	shalt  }
0x52: {  	_ =	shalt  }
0x53: {  	_ =	shalt  }
0x54: {  	_ =	shalt  }
0x55: {  	_ =	shalt  }
0x56: {  	_ =	shalt  }
0x57: {  	_ =	shalt  }
0x58: {  	_ =	shalt  }
0x59: {  	_ =	shalt  }
0x5a: {  	_ =	shalt  }
0x5b: {  	_ =	shalt  }
0x5c: {  	_ =	shalt  }
0x5d: {  	_ =	shalt  }
0x5e: {  	_ =	shalt  }
0x5f: {  	_ =	shalt  }
0x60: {  	_ =	shalt  }
0x61: {  	_ =	shalt  }
0x62: {  	_ =	shalt  }
0x63: {  	_ =	shalt  }
0x64: {  	_ =	shalt  }
0x65: {  	_ =	shalt  }
0x66: {  	_ =	shalt  }
0x67: {  	_ =	shalt  }
0x68: {  	_ =	shalt  }
0x69: {  	_ =	shalt  }
0x6a: {  	_ =	shalt  }
0x6b: {  	_ =	shalt  }
0x6c: {  	_ =	shalt  }
0x6d: {  	_ =	shalt  }
0x6e: {  	_ =	shalt  }
0x6f: {  	_ =	shalt  }
0x70: {  	_ =	shalt  }
0x71: {  	_ =	shalt  }
0x72: {  	_ =	shalt  }
0x73: {  	_ =	shalt  }
0x74: {  	_ =	shalt  }
0x75: {  	_ =	shalt  }
0x76: {  	_ =	shalt  }
0x77: {  	_ =	shalt  }
0x78: {  	_ =	shalt  }
0x79: {  	_ =	shalt  }
0x7a: {  	_ =	shalt  }
0x7b: {  	_ =	shalt  }
0x7c: {  	_ =	shalt  }
0x7d: {  	_ =	shalt  }
0x7e: {  	_ =	shalt  }
0x7f: {  	_ =	shalt  }
0x80: {  	_ =	shalt  }
0x81: {  	_ =	shalt  }
0x82: {  	_ =	shalt  }
0x83: {  	_ =	shalt  }
0x84: {  	_ =	shalt  }
0x85: {  	_ =	shalt  }
0x86: {  	_ =	shalt  }
0x87: {  	_ =	shalt  }
.Lfunc_end0:
.L_simem_size_0:
called_computation.1_lowered:
.L_overlay_start_0:
0x88: {  	s2 =	sld [smem:$0x3FD9]  }
0x89: {  	s3 =	sld [smem:$0x3FFE];
	_ =	sdelay $0x1  }
0x8a: {  	s1 =	srdreg.scid  }
0x8b: {  	s0 =	sand.u32 $0x1, s1  }
0x8c: {  	s16 =	sshll.u32 s0, $0xA;
	s2 =	sadd.s32 s3, s2  }
0x8d: {  	s2 =	sadd.s32 s2, s16  }
0x8e: {  	[smem:$0x3FC1] =	sst s2  }
0x8f: {  	_ = 	snop  }
0x90: {  	(tm) =	ssettm $0x1  }
0x91: {  	s17 =	sld [smem:$0x3FFB];
	_ =	sdelay $0x3  }
0x92: {  	_ =	strace s17  }
0x93: {  	s2 =	sld [smem:$0x3FFC];
	_ =	sdelay $0x3  }
0x94: {  	_ =	strace s2  }
0x95: {  	s2 =	sld [smem:$0x3FFD];
	_ =	sdelay $0x3  }
0x96: {  	_ =	strace s2  }
0x97: {  	_ =	strace $0x8FFFFFFF  }
0x98: {  	s18 =	sld [smem:$0x3FDB];
	_ =	sdelay $0x1  }
0x99: {  	s19 =	simm.s32 $_scs_section_size  }
0x9a: {  	s4 =	simm.s32 $_size__tile_overlayer_lowered;
	s5 =	simm.s32 $_tile_overlayer_lowered  }
0x9b: {  	s22 =	simm.s32 $0x1BFF;
	s21 =	sshll.u32 s5, $0x1;
	s2 =	sadd.s32 s19, s18  }
0x9c: {  	s6 =	simm.s32 $0x0;
	s20 =	sshll.u32 s4, $0x1;
	s4 =	sadd.s32 s21, s2  }
0x9d: {  	[timem:s6], [sflag:s22] =	dma.local [hbm:s4], s20  }
0x9e: {  	_ =	swait.ge [sflag:s22], s20  }
0x9f: {  	s3 =	ssub.s32 $0x0, s20;
	[sflag:s22] =	ssyncset.done $0x0  }
0xa0: {  	[sflag:s22] =	ssyncadd.s32 s3;
	_ =	sdelay $0x1  }
0xa1: {  	s23 =	simm.s32 $0x1B8B  }
0xa2: {  	_ =	swait.ge [sflag:s23], $0x1  }
0xa3: {  	[sflag:s23] =	ssyncset.done $0x0  }
0xa4: {  	s25 =	simm.s32 $0x1B8E;
	s24 =	sld [smem:$0x3FFE];
	[sflag:s23] =	ssyncadd.s32 $0xFFFFFFFF  }
0xa5: {  	s26 =	simm.s32 $execute0_lowered;
	[smem:$0x3FD2] =	sst s25  }
0xa6: {  	s4 =	sshll.u32 s26, $0x1;
	_ =	strace $0x80000049;
	[dreg:$0x1] =	wrdreg $0xFFFFFFFF  }
0xa7: {  	s28 =	simm.s32 $_size_execute0_lowered;
	s2 =	sadd.s32 s2, s4;
	[dreg:$0x0] =	wrdreg $0x0  }
0xa8: {  	s4 =	sshll.u32 s28, $0x1;
	[dreg:$0x2] =	wrdreg s2  }
0xa9: {  	[dreg:$0x3] =	wrdreg s4  }
0xaa: {  	[dreg:$0x4] =	wrdreg $0xC0  }
0xab: {  	_ =	task [dreg:s6], $0x5FFFF  }
0xac: {  	[dreg:$0x1] =	wrdreg $0xFFFFFFFF  }
0xad: {  	[dreg:$0x0] =	wrdreg $0x60  }
0xae: {  	[dreg:$0x2] =	wrdreg s24  }
0xaf: {  	[dreg:$0x3] =	wrdreg $0x41000  }
0xb0: {  	[dreg:$0x4] =	wrdreg $0x9  }
0xb1: {  	_ =	task.clear_ibuf [dreg:s6], $0x5FFFF;
	_ =	strace $0x90000049  }
0xb2: {  	s29 =	simm.s32 $0x9;
	_ =	strace $0x8000004B  }
0xb3: {  	_ =	swait.ge [sflag:s29], $0x1  }
0xb4: {  	[sflag:s29] =	ssyncadd.s32 $0xFFFFFFFF  }
0xb5: {  	_ =	strace $0x9000004B  }
0xb6: {  	_ =	sfence  }
0xb7: {  	s30 =	sld [smem:$0x0];
	_ =	sdelay $0x2  }
0xb8: {  	s31 =	sshll.u32 s1, $0xD;
	s1 =	sshrl.u32 s1, $0x2  }
0xb9: {  	s3 =	sand.u32 $0x4000, s31;
	s1 =	sadd.s32 s1, s30  }
0xba: {  	s0 =	sor.u32 s3, s0;
	s1 =	sshll.u32 s1, $0x11  }
0xbb: {  	s0 =	sor.u32 s1, s0  }
0xbc: {  	s0 =	sadd.s32 $0x8F2B, s0  }
0xbd: {  	[sflag:s0] =	ssyncadd.remote.s32 $0x1  }
0xbe: {  	_ =	sfence.sel $0xFFFF  }
0xbf: {  	[dreg:$0x0] =	wrdreg $0xFFFFFFFF;
	(pc) =	sbr.abs _section_cstart, $3  }
0xc0: {  	[dreg:$0x1] =	wrdreg $0xFFFFFFFF  }
0xc1: {  	_ =	task.clear_ibuf [dreg:s6], $0x2FFFF;
	_ =	strace $0x9FFFFFFF  }
0xc2: {  	(tm) =	ssettm $0x7FFFFFFF  }
0xc3: {  	_ =	shalt  }
tec
execute0_lowered:
.L_overlay_start_1:
0x0: {  	(tag) =	ssettag $0x1  }
0x1: {  	s5 =	rddreg [dreg:$0x0];
	s0 =	stileid.u32  }
0x2: {  	s1 =	srdreg.scid;
	s2 =	rddreg [dreg:$0x1]  }
0x3: {  	s13 =	simm.s32 $0x2;
	s14 =	simm.s32 $0x80;
	s15 =	simm.s32 $0x100  }
0x4: {  	s16 =	simm.s32 $0x1;
	s17 =	simm.s32 $0x0;
	s3 =	smul.u32 $0x3A, s0  }
0x5: {  	s6 =	sand.u32 $0x1, s1;
	s4 =	smul.u32 $0x64, s0;
	s1 =	rddreg [dreg:$0x2]  }
0x6: {  	s8 =	smul.u32 $0x13900, s0;
	s31 =	sshll.u32 s0, $0x6;
	p0 =	seq.s32 s6, $0x0  }
0x7: {  	s9 =	smul.u32 $0x139000, s6;
	s6 =	ssub.s32 $0x2, s6;
	s7 =	sadd.s32 $0x640, s3  }
0x8: {  	s3 =	simm.s32 $0x0;
	s30 =	sshrl.u32 s8, $0x3;
	s10 =	sshrl.u32 s6, $0x1  }
0x9: {  	s12 =	sadd.s32 s8, s2;
	s7 =	smov.u32 @p0 s4;
	[smem:$0x7FF] =	sst s3  }
0xa: {  	s4 =	sadd.s32 $0x2B400, s5;
	s9 =	sadd.s32 s8, s9;
	s10 =	ssub.s32 s6, s10  }
0xb: {  	s6 =	simm.s32 $0x64;
	s12 =	sshrl.u32 s12, $0x3;
	s7 =	sshll.u32 s7, $0x4  }
0xc: {  	_ =	strace $0x8000004A;
	s9 =	sshrl.u32 s9, $0x3;
	s6 =	simm.s32 @!p0 $0x3A  }
0xd: {  	s11 =	sadd.s32 s7, s5;
	s7 =	sadd.s32 s30, s5;
	s9 =	sadd.s32 s9, s5  }
0xe: {  	s5 =	sadd.s32 $0x52600, s7;
	s7 =	sor.u32 $0x1C02, s31;
	s8 =	sadd.s32 $0x79800, s9  }
0xf: {  	s9 =	smax.u32 s10, $0x1;
	s10 =	sadd.s32 $0x17400, s11;
	s11 =	sadd.s32 $0x21400, s11  }
.LBB2_1:
0x10: {  	[spmem:s12], [sflag:s7] =	dma.local [hbm:s5], $0x2720  }
0x11: {  	_ =	swait.ge [sflag:s13], $0x2720  }
0x12: {  	[sflag:s13] =	ssyncset.done $0x0  }
0x13: {  	[sflag:s13] =	ssyncadd.s32 $0xFFFFD8E0  }
0x14: {  	[bflag:$0x0] =	sbarrier.arrive $0xFFFF  }
0x15: {  	[tilespmem:s3], [sflag:$0x2] =	stream.linear.gather [hbm4b:s11+s3], $0x80, $0x38;
	[tilespmem:$0x17A00] =	vst v63  }
0x16: {  	_ =	swait.ge [sflag:s13], $0x80  }
0x17: {  	[sflag:s13] =	ssyncset.done $0x0  }
0x18: {  	[sflag:s13] =	ssyncadd.s32 $0xFFFFFF80  }
0x19: {  	[tilespmem:s14], [sflag:$0x2] =	stream.linear.gather [hbm4b:s10+s3], $0x80, $0x38;
	[tilespmem:$0x17A00] =	vst v63  }
0x1a: {  	_ =	swait.ge [sflag:s13], $0x80  }
0x1b: {  	[sflag:s13] =	ssyncset.done $0x0  }
0x1c: {  	[sflag:s13] =	ssyncadd.s32 $0xFFFFFF80  }
0x1d: {  	[tilespmem:s15], [sflag:$0x1] =	stream.indirect.gather [hbm4b:s4+s14], $0x80, s3, s14, $0xb8;
	[tilespmem:$0x17A00] =	vst v63  }
0x1e: {  	p0 =	sne.s32 s6, $0x1;
	_ =	swait.ge [sflag:s16], $0x4000  }
.Ltmp0:
0x1f: {  	[sflag:s16] =	ssyncset.done $0x0;
	(pc) =	sbr.rel @!p0 .LBB2_3-.Ltmp0, $4  }
0x20: {  	[sflag:s16] =	ssyncadd.s32 $0xFFFFC000  }
0x21: {  	[spmem:s2] =	stream.indirect.scatter.add.f32 [tilespmem:s15], [sflag:$0x2], $0x80, s14, s14, $0xb8;
	[tilespmem:$0x17A00] =	vst v63  }
0x22: {  	s18 =	sadd.s32 $0xFFFFFFFF, s6;
	_ =	swait.ge [sflag:s13], $0x4000  }
0x23: {  	s19 =	smov.u32 s10;
	s20 =	smov.u32 s11;
	[sflag:s13] =	ssyncset.done $0x0  }
.LBB2_2:
0x24: {  	[sflag:s13] =	ssyncadd.s32 $0xFFFFC000;
	s19 =	sadd.s32 $0x10, s19;
	s20 =	sadd.s32 $0x10, s20  }
0x25: {  	[tilespmem:s3], [sflag:$0x2] =	stream.linear.gather [hbm4b:s20+s3], $0x80, $0x38;
	[tilespmem:$0x17A00] =	vst v63  }
0x26: {  	p0 =	sne.s32 s18, $0x1;
	s18 =	sadd.s32 $0xFFFFFFFF, s18;
	_ =	swait.ge [sflag:s13], $0x80  }
0x27: {  	[sflag:s13] =	ssyncset.done $0x0  }
0x28: {  	[sflag:s13] =	ssyncadd.s32 $0xFFFFFF80  }
0x29: {  	[tilespmem:s14], [sflag:$0x2] =	stream.linear.gather [hbm4b:s19+s3], $0x80, $0x38;
	[tilespmem:$0x17A00] =	vst v63  }
0x2a: {  	_ =	swait.ge [sflag:s13], $0x80  }
0x2b: {  	[sflag:s13] =	ssyncset.done $0x0  }
0x2c: {  	[sflag:s13] =	ssyncadd.s32 $0xFFFFFF80  }
0x2d: {  	[tilespmem:s15], [sflag:$0x1] =	stream.indirect.gather [hbm4b:s4+s14], $0x80, s3, s14, $0xb8;
	[tilespmem:$0x17A00] =	vst v63  }
0x2e: {  	_ =	swait.ge [sflag:s16], $0x4000  }
.Ltmp1:
0x2f: {  	[sflag:s16] =	ssyncset.done $0x0;
	(pc) =	sbr.rel @p0 .LBB2_2-.Ltmp1, $4  }
0x30: {  	[sflag:s16] =	ssyncadd.s32 $0xFFFFC000  }
0x31: {  	[spmem:s2] =	stream.indirect.scatter.add.f32 [tilespmem:s15], [sflag:$0x2], $0x80, s14, s14, $0xb8;
	[tilespmem:$0x17A00] =	vst v63  }
0x32: {  	_ =	swait.ge [sflag:s13], $0x4000  }
0x33: {  	[sflag:s13] =	ssyncset.done $0x0  }
.LBB2_3:
0x34: {  	s17 =	sadd.s32 $0x1, s17  }
0x35: {  	[sflag:s13] =	ssyncadd.s32 $0xFFFFC000;
	p0 =	sne.s32 s17, s9  }
.Ltmp2:
0x36: {  	[bflag:$0x0] =	sbarrier.arrive $0xFFFF;
	(pc) =	sbr.rel @p0 .LBB2_1-.Ltmp2, $4  }
0x37: {  	[hbm:s8], [sflag:s7] =	dma.local [spmem:s12], $0x2720  }
0x38: {  	_ =	swait.ge [sflag:s13], $0x2720  }
0x39: {  	[sflag:s13] =	ssyncset.done $0x0  }
0x3a: {  	[sflag:s13] =	ssyncadd.s32 $0xFFFFD8E0  }
0x3b: {  	_ =	sfence.sel $0x180000  }
0x3c: {  	[bflag:$0x0] =	sbarrier.arrive $0xFFFF  }
0x3d: {  	p0 =	sne.s32 s0, $0x0;
	_ =	strace $0x9000004A  }
0x3e: {  	s0 =	sadd.s32 @!p0 $0x100000, s1;
	[bflag:$0x2] =	sbarrier.arrive $0xFFFF  }
0x3f: {  	[sflag:s0] =	ssyncadd.tile.s32 @!p0 $0x1;
	_ =	shalt  }
.Lfunc_end2:
_tile_overlayer_lowered:
.L_overlay_start_2:
0x40: {  	(tag) =	ssettag $0x2  }
0x41: {  	s0 =	rddreg [dreg:$0x0];
	s2 =	stileid.u32  }
0x42: {  	s1 =	rddreg [dreg:$0x1];
	p0 =	sne.s32 s2, $0x0  }
0x43: {  	s3 =	rddreg [dreg:$0x2];
	[bflag:$0x3] =	sbarrier.arrive $0xFFFF;
	s2 =	simm.s32 @!p0 $0x1C02  }
0x44: {  	[timem:s3], [sflag:s2] =	dma.local @!p0 [hbm:s0], s1  }
0x45: {  	s0 =	simm.s32 @!p0 $0x2  }
0x46: {  	_ =	swait.ge @!p0 [sflag:s0], s1  }
0x47: {  	s1 =	ssub.s32 @!p0 $0x0, s1;
	[sflag:s0] =	ssyncset.done @!p0 $0x0  }
0x48: {  	[sflag:s0] =	ssyncadd.s32 @!p0 s1  }
0x49: {  	[bflag:$0x3] =	sbarrier.arrive $0xFFFF  }
0x4a: {  	_ =	shalt  }

// kernel: kernel.15.cloned.1.call-start
scs
__scs_entry_jumppad:
0x0: {  	(pc) =	sbr.rel $0x88, $3  }
0x1: {  	(tag) =	ssettag $0x0;
	lr =	simm.s32 $0x1  }
0x2: {  	[smem:$0x3F9A] =	sst lr;
	_ =	strace $0xD0000000  }
0x3: {  	_ = 	snop  }
0x4: {  	_ = 	snop  }
0x5: {  	_ = 	snop  }
0x6: {  	_ = 	snop  }
0x7: {  	_ = 	snop  }
__scs_overlays_trampoline_lowered:
0x8: {  	[smem:$0x3FA9] =	sst s0  }
0x9: {  	[smem:$0x3FAA] =	sst s1  }
0xa: {  	[smem:$0x3FAB] =	sst s2  }
0xb: {  	[smem:$0x3FAC] =	sst s3  }
0xc: {  	[smem:$0x3FAD] =	sst s4  }
0xd: {  	[smem:$0x3FAE] =	sst s5  }
0xe: {  	[smem:$0x3FAF] =	sst s6  }
0xf: {  	[smem:$0x3FB0] =	sst s7  }
0x10: {  	[smem:$0x3FB1] =	sst s8  }
0x11: {  	[smem:$0x3FB2] =	sst s9;
	s0 =	simm.s32 @!p0 $0x0  }
0x12: {  	s1 =	sld [smem:$0x3F98];
	s0 =	simm.s32 @p0 $0x1  }
0x13: {  	[smem:$0x3FB3] =	sst s0;
	s0 =	simm.s32 @!p1 $0x0  }
0x14: {  	s2 =	sld [smem:$0x3F97];
	s0 =	simm.s32 @p1 $0x1  }
0x15: {  	[smem:$0x3FB4] =	sst s0;
	s0 =	simm.s32 @!p2 $0x0  }
0x16: {  	s3 =	sld [smem:$0x3FDB];
	s0 =	simm.s32 @p2 $0x1  }
0x17: {  	s4 =	simm.s32 $0x1BF5;
	[smem:$0x3FB6] =	sst s0  }
0x18: {  	s0 =	sld [smem:$0x3F99];
	_ =	swait.ge [sflag:s4], $0x0  }
0x19: {  	s7 =	sld [smem:$0x3F9A]  }
0x1a: {  	s8 =	sadd.s32 $0xFFFFE003, lr  }
0x1b: {  	s9 =	sadd.s32 $0xFFFFFEF7, lr;
	s5 =	simm.s32 $0xFFFFFFFF;
	p2 =	slt.u32 s8, $0xFFFFF086  }
0x1c: {  	p1 =	slt.u32 s9, $0xF7A;
	s5 =	simm.s32 @!p2 $0x0  }
0x1d: {  	s5 =	simm.s32 @p1 $0x1;
	p0 =	seq.s32 s7, s2  }
0x1e: {  	s7 =	smul.u32 @!p0 $0xF7A, s2;
	p2 =	seq.s32 @!p0 s5, $0x0  }
0x1f: {  	s9 =	smul.u32 $0xF7A, s1;
	s8 =	simm.s32 @!p0 $0x1BF5;
	p2 =	por !p2, p0  }
0x20: {  	[sflag:s8] =	ssyncset.s32 @!p0 $0xFFFFF086;
	s6 =	sadd.s32 @!p0 s3, s7;
	s7 =	simm.s32 @!p0 $0x108  }
0x21: {  	s3 =	sadd.s32 s3, s9;
	s6 =	sadd.s32 @!p0 $0x88, s6;
	s7 =	simm.s32 @p2 $0x1082  }
0x22: {  	[simem:s7], [sflag:s8] =	dma.local @!p0 [hbm:s6], $0xF7A  }
0x23: {  	s9 =	sor.u32 $0xD0000000, s2;
	s6 =	simm.s32 $0x108;
	_ =	swait.ge @!p0 [sflag:s8], $0x0  }
0x24: {  	s3 =	sadd.s32 $0x88, s3;
	s6 =	simm.s32 @!p1 $0x1082;
	[sflag:s4] =	ssyncset.s32 $0xFFFFF086  }
0x25: {  	[simem:s6], [sflag:s4] =	dma.local [hbm:s3], $0xF7A  }
0x26: {  	[smem:$0x3F9A] =	sst s1;
	(tag) =	ssettag s2;
	_ =	strace s9  }
0x27: {  	s1 =	sld [smem:$0x3FAA]  }
0x28: {  	s2 =	sld [smem:$0x3FAB]  }
0x29: {  	s4 =	sld [smem:$0x3FAD]  }
0x2a: {  	p0 =	seq.s32 s5, $0x0;
	s5 =	sld [smem:$0x3FAE]  }
0x2b: {  	s6 =	sld [smem:$0x3FAF]  }
0x2c: {  	s7 =	sld [smem:$0x3FB0]  }
0x2d: {  	s3 =	simm.s32 $0x108;
	s8 =	sld [smem:$0x3FB1]  }
0x2e: {  	s3 =	simm.s32 @!p0 $0x1082;
	s9 =	sld [smem:$0x3FB2]  }
0x2f: {  	lr =	sadd.s32 s0, s3;
	s0 =	sld [smem:$0x3FA9]  }
0x30: {  	s3 =	sld [smem:$0x3FAC]  }
0x31: {  	[smem:$0x3FB5] =	sst s10  }
0x32: {  	s10 =	sld [smem:$0x3FB3];
	_ =	sdelay $0x3  }
0x33: {  	p0 =	seq.s32 s10, $0x1;
	s10 =	sld [smem:$0x3FB5];
	_ =	sdelay $0x3  }
0x34: {  	[smem:$0x3FB5] =	sst s10  }
0x35: {  	s10 =	sld [smem:$0x3FB4];
	_ =	sdelay $0x3  }
0x36: {  	p1 =	seq.s32 s10, $0x1;
	s10 =	sld [smem:$0x3FB5];
	_ =	sdelay $0x3  }
0x37: {  	[smem:$0x3FB5] =	sst s10  }
0x38: {  	s10 =	sld [smem:$0x3FB6]  }
0x39: {  	_ = 	snop;
	(pc) =	sbr.ind lr, $3  }
0x3a: {  	_ = 	snop  }
0x3b: {  	_ = 	snop  }
0x3c: {  	p2 =	seq.s32 s10, $0x1;
	s10 =	sld [smem:$0x3FB5]  }
0x3d: {  	_ =	shalt  }
0x3e: {  	_ =	shalt  }
0x3f: {  	_ =	shalt  }
0x40: {  	_ =	shalt  }
0x41: {  	_ =	shalt  }
0x42: {  	_ =	shalt  }
0x43: {  	_ =	shalt  }
0x44: {  	_ =	shalt  }
0x45: {  	_ =	shalt  }
0x46: {  	_ =	shalt  }
0x47: {  	_ =	shalt  }
0x48: {  	_ =	shalt  }
0x49: {  	_ =	shalt  }
0x4a: {  	_ =	shalt  }
0x4b: {  	_ =	shalt  }
0x4c: {  	_ =	shalt  }
0x4d: {  	_ =	shalt  }
0x4e: {  	_ =	shalt  }
0x4f: {  	_ =	shalt  }
0x50: {  	_ =	shalt  }
0x51: {  	_ =	shalt  }
0x52: {  	_ =	shalt  }
0x53: {  	_ =	shalt  }
0x54: {  	_ =	shalt  }
0x55: {  	_ =	shalt  }
0x56: {  	_ =	shalt  }
0x57: {  	_ =	shalt  }
0x58: {  	_ =	shalt  }
0x59: {  	_ =	shalt  }
0x5a: {  	_ =	shalt  }
0x5b: {  	_ =	shalt  }
0x5c: {  	_ =	shalt  }
0x5d: {  	_ =	shalt  }
0x5e: {  	_ =	shalt  }
0x5f: {  	_ =	shalt  }
0x60: {  	_ =	shalt  }
0x61: {  	_ =	shalt  }
0x62: {  	_ =	shalt  }
0x63: {  	_ =	shalt  }
0x64: {  	_ =	shalt  }
0x65: {  	_ =	shalt  }
0x66: {  	_ =	shalt  }
0x67: {  	_ =	shalt  }
0x68: {  	_ =	shalt  }
0x69: {  	_ =	shalt  }
0x6a: {  	_ =	shalt  }
0x6b: {  	_ =	shalt  }
0x6c: {  	_ =	shalt  }
0x6d: {  	_ =	shalt  }
0x6e: {  	_ =	shalt  }
0x6f: {  	_ =	shalt  }
0x70: {  	_ =	shalt  }
0x71: {  	_ =	shalt  }
0x72: {  	_ =	shalt  }
0x73: {  	_ =	shalt  }
0x74: {  	_ =	shalt  }
0x75: {  	_ =	shalt  }
0x76: {  	_ =	shalt  }
0x77: {  	_ =	shalt  }
0x78: {  	_ =	shalt  }
0x79: {  	_ =	shalt  }
0x7a: {  	_ =	shalt  }
0x7b: {  	_ =	shalt  }
0x7c: {  	_ =	shalt  }
0x7d: {  	_ =	shalt  }
0x7e: {  	_ =	shalt  }
0x7f: {  	_ =	shalt  }
0x80: {  	_ =	shalt  }
0x81: {  	_ =	shalt  }
0x82: {  	_ =	shalt  }
0x83: {  	_ =	shalt  }
0x84: {  	_ =	shalt  }
0x85: {  	_ =	shalt  }
0x86: {  	_ =	shalt  }
0x87: {  	_ =	shalt  }
.Lfunc_end0:
.L_simem_size_0:
called_computation.2_lowered:
.L_overlay_start_0:
0x88: {  	s2 =	sld [smem:$0x3FD9]  }
0x89: {  	s3 =	sld [smem:$0x3FFE];
	_ =	sdelay $0x1  }
0x8a: {  	s1 =	srdreg.scid  }
0x8b: {  	s0 =	sand.u32 $0x1, s1  }
0x8c: {  	s14 =	sshll.u32 s0, $0xA;
	s2 =	sadd.s32 s3, s2  }
0x8d: {  	s2 =	sadd.s32 s2, s14  }
0x8e: {  	[smem:$0x3FC1] =	sst s2  }
0x8f: {  	_ = 	snop  }
0x90: {  	s2 =	sld [smem:$0x3FD0];
	_ =	sdelay $0x2  }
0x91: {  	s15 =	simm.s32 $0xA;
	s4 =	simm.s32 $0x10  }
0x92: {  	[smem:s4], [sflag:s15] =	dma.local [hbm:s2], $0x1  }
0x93: {  	_ =	swait.eq [sflag:s15], $0x1  }
0x94: {  	[sflag:s15] =	ssyncset.done $0x0  }
0x95: {  	s16 =	sld [smem:$0x10];
	[sflag:s15] =	ssyncadd.s32 $0xFFFFFFFF  }
0x96: {  	s17 =	sld [smem:$0x11];
	(tm) =	ssettm $0x1  }
0x97: {  	s18 =	sld [smem:$0x3FFB];
	_ =	sdelay $0x3  }
0x98: {  	_ =	strace s18  }
0x99: {  	s4 =	sld [smem:$0x3FFC];
	_ =	sdelay $0x3  }
0x9a: {  	_ =	strace s4  }
0x9b: {  	s4 =	sld [smem:$0x3FFD];
	_ =	sdelay $0x3  }
0x9c: {  	_ =	strace s4  }
0x9d: {  	_ =	strace $0x8FFFFFFF  }
0x9e: {  	s19 =	sld [smem:$0x3FDB];
	_ =	sdelay $0x1  }
0x9f: {  	s5 =	simm.s32 $_scs_section_size  }
0xa0: {  	s6 =	simm.s32 $_size__tile_overlayer_lowered;
	s7 =	simm.s32 $_tile_overlayer_lowered  }
0xa1: {  	s22 =	simm.s32 $0x1BFF;
	s21 =	sshll.u32 s7, $0x1;
	s4 =	sadd.s32 s5, s19  }
0xa2: {  	s8 =	simm.s32 $0x0;
	s20 =	sshll.u32 s6, $0x1;
	s6 =	sadd.s32 s21, s4  }
0xa3: {  	[timem:s8], [sflag:s22] =	dma.local [hbm:s6], s20  }
0xa4: {  	_ =	swait.ge [sflag:s22], s20  }
0xa5: {  	s5 =	ssub.s32 $0x0, s20;
	[sflag:s22] =	ssyncset.done $0x0  }
0xa6: {  	[sflag:s22] =	ssyncadd.s32 s5;
	_ =	sdelay $0x1  }
0xa7: {  	s23 =	simm.s32 $0x1B8B  }
0xa8: {  	_ =	swait.ge [sflag:s23], $0x1  }
0xa9: {  	[sflag:s23] =	ssyncset.done $0x0  }
0xaa: {  	s25 =	simm.s32 $0x1B8E;
	s24 =	sld [smem:$0x3FFE];
	[sflag:s23] =	ssyncadd.s32 $0xFFFFFFFF  }
0xab: {  	s26 =	simm.s32 $execute0_lowered;
	[smem:$0x3FD2] =	sst s25  }
0xac: {  	s6 =	sshll.u32 s26, $0x1;
	_ =	strace $0x8000004C;
	[dreg:$0x1] =	wrdreg $0xFFFFFFFF  }
0xad: {  	s28 =	simm.s32 $_size_execute0_lowered;
	s4 =	sadd.s32 s4, s6;
	[dreg:$0x0] =	wrdreg $0x0  }
0xae: {  	s6 =	sshll.u32 s28, $0x1;
	[dreg:$0x2] =	wrdreg s4  }
0xaf: {  	[dreg:$0x3] =	wrdreg s6  }
0xb0: {  	[dreg:$0x4] =	wrdreg $0xC0  }
0xb1: {  	_ =	task [dreg:s8], $0x5FFFF  }
0xb2: {  	[dreg:$0x1] =	wrdreg $0xFFFFFFFF  }
0xb3: {  	[dreg:$0x0] =	wrdreg $0x60  }
0xb4: {  	[dreg:$0x2] =	wrdreg s17  }
0xb5: {  	[dreg:$0x3] =	wrdreg s24  }
0xb6: {  	[dreg:$0x4] =	wrdreg s16  }
0xb7: {  	[dreg:$0x5] =	wrdreg $0x12000  }
0xb8: {  	[dreg:$0x6] =	wrdreg $0x9  }
0xb9: {  	_ =	task.clear_ibuf [dreg:s8], $0x7FFFF;
	_ =	strace $0x9000004C  }
0xba: {  	s29 =	simm.s32 $0x9;
	_ =	strace $0x8000004E  }
0xbb: {  	_ =	swait.ge [sflag:s29], $0x1  }
0xbc: {  	[sflag:s29] =	ssyncadd.s32 $0xFFFFFFFF  }
0xbd: {  	_ =	strace $0x9000004E  }
0xbe: {  	_ =	sfence  }
0xbf: {  	s30 =	sld [smem:$0x0];
	_ =	sdelay $0x2  }
0xc0: {  	s31 =	sshll.u32 s1, $0xD;
	s1 =	sshrl.u32 s1, $0x2  }
0xc1: {  	s3 =	sand.u32 $0x4000, s31;
	s1 =	sadd.s32 s1, s30  }
0xc2: {  	s0 =	sor.u32 s3, s0;
	s1 =	sshll.u32 s1, $0x11  }
0xc3: {  	s0 =	sor.u32 s1, s0  }
0xc4: {  	s0 =	sadd.s32 $0x8F2B, s0  }
0xc5: {  	[sflag:s0] =	ssyncadd.remote.s32 $0x1  }
0xc6: {  	_ =	sfence.sel $0xFFFF  }
0xc7: {  	[dreg:$0x0] =	wrdreg $0xFFFFFFFF;
	(pc) =	sbr.abs _section_cstart, $3  }
0xc8: {  	[dreg:$0x1] =	wrdreg $0xFFFFFFFF  }
0xc9: {  	_ =	task.clear_ibuf [dreg:s8], $0x2FFFF;
	_ =	strace $0x9FFFFFFF  }
0xca: {  	(tm) =	ssettm $0x7FFFFFFF  }
0xcb: {  	_ =	shalt  }
tec
execute0_lowered:
.L_overlay_start_1:
0x0: {  	(tag) =	ssettag $0x1  }
0x1: {  	s1 =	rddreg [dreg:$0x0]  }
0x2: {  	s5 =	rddreg [dreg:$0x1];
	s2 =	srdreg.scid  }
0x3: {  	s0 =	stileid.u32;
	s6 =	rddreg [dreg:$0x2]  }
0x4: {  	s3 =	rddreg [dreg:$0x3];
	s4 =	simm.s32 $0x0;
	s17 =	simm.s32 $0x5  }
0x5: {  	s18 =	simm.s32 $0x100;
	s19 =	simm.s32 $0x80;
	s20 =	simm.s32 $0x180  }
0x6: {  	s21 =	simm.s32 $0x1;
	s22 =	simm.s32 $0x200;
	s23 =	simm.s32 $0x2  }
0x7: {  	s24 =	simm.s32 $0xA00;
	s25 =	simm.s32 $0x3;
	s28 =	simm.s32 $0x0  }
0x8: {  	s7 =	sand.u32 $0x1, s2;
	s8 =	smul.u32 $0x2720, s0;
	[smem:$0x7FF] =	sst s4  }
0x9: {  	s10 =	sadd.s32 $0x21400, s5;
	s11 =	sadd.s32 $0x17400, s5;
	s9 =	smul.u32 $0x27200, s7  }
0xa: {  	s13 =	sshll.u32 s0, $0x6;
	_ =	strace $0x8000004D;
	s26 =	ssub.s32 $0x2, s7  }
0xb: {  	p0 =	seq.s32 s7, $0x0;
	s7 =	sadd.s32 $0x5E0, s13;
	s9 =	sadd.s32 s8, s9  }
0xc: {  	s14 =	sshrl.u32 s26, $0x1;
	s29 =	sshrl.u32 s8, $0x3;
	s9 =	sshrl.u32 s9, $0x3  }
0xd: {  	s16 =	sadd.s32 s8, s3;
	s12 =	sadd.s32 s9, s5;
	s9 =	smul.u32 $0x5E, s0  }
0xe: {  	s14 =	ssub.s32 s26, s14;
	s16 =	sshrl.u32 s16, $0x3;
	s26 =	simm.s32 $0x4  }
0xf: {  	s5 =	sadd.s32 s6, s29;
	s6 =	sor.u32 $0x1C05, s13;
	s7 =	smov.u32 @p0 s9  }
0x10: {  	s13 =	smax.u32 s14, $0x1;
	s12 =	sadd.s32 $0x2600, s12;
	s30 =	sshll.u32 s7, $0x4  }
0x11: {  	s7 =	sadd.s32 s10, s30;
	s31 =	sor.u32 $0x10, s30;
	s8 =	sadd.s32 s11, s30  }
0x12: {  	s9 =	sadd.s32 s10, s31;
	s10 =	simm.s32 $0x2F;
	s11 =	sadd.s32 s11, s31  }
0x13: {  	s14 =	sadd.s32 $0x30, s8;
	s15 =	sadd.s32 $0x30, s7;
	s10 =	simm.s32 @!p0 $0x20  }
.LBB2_1:
0x14: {  	[spmem:s16], [sflag:s6] =	dma.local [hbm:s5], $0x4E4  }
0x15: {  	_ =	swait.ge [sflag:s17], $0x4E4  }
0x16: {  	[sflag:s17] =	ssyncset.done $0x0  }
0x17: {  	[sflag:s17] =	ssyncadd.s32 $0xFFFFFB1C  }
0x18: {  	[tilespmem:s4], [sflag:$0x1] =	stream.linear.gather [hbm4b:s7+s4], $0x80, $0x38;
	[tilespmem:$0x3920] =	vst v63  }
0x19: {  	_ = 	snop  }
0x1a: {  	[tilespmem:s18], [sflag:$0x1] =	stream.linear.gather [hbm4b:s8+s4], $0x80, $0x38;
	[tilespmem:$0x3920] =	vst v63  }
0x1b: {  	_ = 	snop  }
0x1c: {  	[tilespmem:s19], [sflag:$0x2] =	stream.linear.gather [hbm4b:s9+s4], $0x80, $0x38;
	[tilespmem:$0x3920] =	vst v63  }
0x1d: {  	_ = 	snop  }
0x1e: {  	[tilespmem:s20], [sflag:$0x2] =	stream.linear.gather [hbm4b:s11+s4], $0x80, $0x38;
	[tilespmem:$0x3920] =	vst v63  }
0x1f: {  	[bflag:$0x0] =	sbarrier.arrive $0xFFFF  }
0x20: {  	_ =	swait.ge [sflag:s21], $0x80  }
0x21: {  	[sflag:s21] =	ssyncset.done $0x0  }
0x22: {  	[sflag:s21] =	ssyncadd.s32 $0xFFFFFF80  }
0x23: {  	_ =	swait.ge [sflag:s21], $0x80  }
0x24: {  	[sflag:s21] =	ssyncset.done $0x0  }
0x25: {  	[sflag:s21] =	ssyncadd.s32 $0xFFFFFF80  }
0x26: {  	[tilespmem:s22], [sflag:$0x3] =	stream.indirect.gather [hbm4b:s1+s19], $0x10, s4, s19, $0xb8;
	[tilespmem:$0x3920] =	vst v63  }
0x27: {  	_ =	swait.ge [sflag:s23], $0x80  }
0x28: {  	[sflag:s23] =	ssyncset.done $0x0  }
0x29: {  	[sflag:s23] =	ssyncadd.s32 $0xFFFFFF80  }
0x2a: {  	_ =	swait.ge [sflag:s23], $0x80  }
0x2b: {  	[sflag:s23] =	ssyncset.done $0x0  }
0x2c: {  	[sflag:s23] =	ssyncadd.s32 $0xFFFFFF80  }
0x2d: {  	[tilespmem:s24], [sflag:$0x4] =	stream.indirect.gather [hbm4b:s1+s19], $0x10, s19, s19, $0xb8;
	[tilespmem:$0x3920] =	vst v63  }
0x2e: {  	_ =	swait.ge [sflag:s25], $0x800  }
0x2f: {  	[sflag:s25] =	ssyncset.done $0x0  }
0x30: {  	[sflag:s25] =	ssyncadd.s32 $0xFFFFF800  }
0x31: {  	[spmem:s3] =	stream.indirect.scatter.add.f32 [tilespmem:s22], [sflag:$0x5], $0x10, s18, s19, $0xb8;
	[tilespmem:$0x3920] =	vst v63  }
0x32: {  	_ =	swait.ge [sflag:s17], $0x800  }
0x33: {  	[sflag:s17] =	ssyncset.done $0x0  }
0x34: {  	s29 =	sadd.s32 $0xFFFFFFF0, s15;
	[sflag:s17] =	ssyncadd.s32 $0xFFFFF800  }
0x35: {  	[tilespmem:s4], [sflag:$0x1] =	stream.linear.gather [hbm4b:s29+s4], $0x80, $0x38;
	[tilespmem:$0x3920] =	vst v63  }
0x36: {  	s29 =	sadd.s32 $0xFFFFFFF0, s14  }
0x37: {  	[tilespmem:s18], [sflag:$0x1] =	stream.linear.gather [hbm4b:s29+s4], $0x80, $0x38;
	[tilespmem:$0x3920] =	vst v63  }
0x38: {  	_ =	swait.ge [sflag:s26], $0x800  }
0x39: {  	[sflag:s26] =	ssyncset.done $0x0  }
0x3a: {  	[sflag:s26] =	ssyncadd.s32 $0xFFFFF800  }
0x3b: {  	[spmem:s3] =	stream.indirect.scatter.add.f32 [tilespmem:s24], [sflag:$0x5], $0x10, s20, s19, $0xb8;
	[tilespmem:$0x3920] =	vst v63  }
0x3c: {  	_ =	swait.ge [sflag:s17], $0x800  }
0x3d: {  	[sflag:s17] =	ssyncset.done $0x0  }
0x3e: {  	[sflag:s17] =	ssyncadd.s32 $0xFFFFF800  }
0x3f: {  	[tilespmem:s19], [sflag:$0x2] =	stream.linear.gather [hbm4b:s15+s4], $0x80, $0x38;
	[tilespmem:$0x3920] =	vst v63  }
0x40: {  	_ = 	snop  }
0x41: {  	[tilespmem:s20], [sflag:$0x2] =	stream.linear.gather [hbm4b:s14+s4], $0x80, $0x38;
	[tilespmem:$0x3920] =	vst v63  }
0x42: {  	p0 =	sne.s32 s10, $0x1;
	_ =	swait.ge [sflag:s21], $0x80  }
.Ltmp0:
0x43: {  	[sflag:s21] =	ssyncset.done $0x0;
	(pc) =	sbr.rel @!p0 .LBB2_3-.Ltmp0, $4  }
0x44: {  	[sflag:s21] =	ssyncadd.s32 $0xFFFFFF80  }
0x45: {  	_ =	swait.ge [sflag:s21], $0x80  }
0x46: {  	s30 =	sadd.s32 $0x20, s14;
	[sflag:s21] =	ssyncset.done $0x0  }
0x47: {  	s31 =	sadd.s32 $0x20, s15;
	s29 =	sadd.s32 $0xFFFFFFFF, s10;
	[sflag:s21] =	ssyncadd.s32 $0xFFFFFF80  }
.LBB2_2:
0x48: {  	[tilespmem:s22], [sflag:$0x3] =	stream.indirect.gather [hbm4b:s1+s19], $0x10, s4, s19, $0xb8;
	[tilespmem:$0x3920] =	vst v63  }
0x49: {  	p0 =	sne.s32 s29, $0x1;
	s29 =	sadd.s32 $0xFFFFFFFF, s29;
	_ =	swait.ge [sflag:s23], $0x80  }
0x4a: {  	[sflag:s23] =	ssyncset.done $0x0  }
0x4b: {  	[sflag:s23] =	ssyncadd.s32 $0xFFFFFF80  }
0x4c: {  	_ =	swait.ge [sflag:s23], $0x80  }
0x4d: {  	[sflag:s23] =	ssyncset.done $0x0  }
0x4e: {  	[sflag:s23] =	ssyncadd.s32 $0xFFFFFF80  }
0x4f: {  	[tilespmem:s24], [sflag:$0x4] =	stream.indirect.gather [hbm4b:s1+s19], $0x10, s19, s19, $0xb8;
	[tilespmem:$0x3920] =	vst v63  }
0x50: {  	_ =	swait.ge [sflag:s25], $0x800  }
0x51: {  	[sflag:s25] =	ssyncset.done $0x0  }
0x52: {  	[sflag:s25] =	ssyncadd.s32 $0xFFFFF800  }
0x53: {  	[spmem:s3] =	stream.indirect.scatter.add.f32 [tilespmem:s22], [sflag:$0x5], $0x10, s18, s19, $0xb8;
	[tilespmem:$0x3920] =	vst v63  }
0x54: {  	_ =	swait.ge [sflag:s17], $0x800  }
0x55: {  	[sflag:s17] =	ssyncset.done $0x0  }
0x56: {  	s2 =	sadd.s32 $0xFFFFFFF0, s31;
	[sflag:s17] =	ssyncadd.s32 $0xFFFFF800  }
0x57: {  	[tilespmem:s4], [sflag:$0x1] =	stream.linear.gather [hbm4b:s2+s4], $0x80, $0x38;
	[tilespmem:$0x3920] =	vst v63  }
0x58: {  	s2 =	sadd.s32 $0xFFFFFFF0, s30  }
0x59: {  	[tilespmem:s18], [sflag:$0x1] =	stream.linear.gather [hbm4b:s2+s4], $0x80, $0x38;
	[tilespmem:$0x3920] =	vst v63  }
0x5a: {  	_ =	swait.ge [sflag:s26], $0x800  }
0x5b: {  	[sflag:s26] =	ssyncset.done $0x0  }
0x5c: {  	[sflag:s26] =	ssyncadd.s32 $0xFFFFF800  }
0x5d: {  	[spmem:s3] =	stream.indirect.scatter.add.f32 [tilespmem:s24], [sflag:$0x5], $0x10, s20, s19, $0xb8;
	[tilespmem:$0x3920] =	vst v63  }
0x5e: {  	_ =	swait.ge [sflag:s17], $0x800  }
0x5f: {  	[sflag:s17] =	ssyncset.done $0x0  }
0x60: {  	[sflag:s17] =	ssyncadd.s32 $0xFFFFF800  }
0x61: {  	[tilespmem:s19], [sflag:$0x2] =	stream.linear.gather [hbm4b:s31+s4], $0x80, $0x38;
	[tilespmem:$0x3920] =	vst v63  }
0x62: {  	_ = 	snop  }
0x63: {  	[tilespmem:s20], [sflag:$0x2] =	stream.linear.gather [hbm4b:s30+s4], $0x80, $0x38;
	[tilespmem:$0x3920] =	vst v63  }
0x64: {  	_ =	swait.ge [sflag:s21], $0x80  }
.Ltmp1:
0x65: {  	[sflag:s21] =	ssyncset.done $0x0;
	(pc) =	sbr.rel @p0 .LBB2_2-.Ltmp1, $4  }
0x66: {  	[sflag:s21] =	ssyncadd.s32 $0xFFFFFF80  }
0x67: {  	_ =	swait.ge [sflag:s21], $0x80  }
0x68: {  	[sflag:s21] =	ssyncset.done $0x0  }
0x69: {  	s31 =	sadd.s32 $0x20, s31;
	s30 =	sadd.s32 $0x20, s30;
	[sflag:s21] =	ssyncadd.s32 $0xFFFFFF80  }
.LBB2_3:
0x6a: {  	[tilespmem:s22], [sflag:$0x3] =	stream.indirect.gather [hbm4b:s1+s19], $0x10, s4, s19, $0xb8;
	[tilespmem:$0x3920] =	vst v63  }
0x6b: {  	_ =	swait.ge [sflag:s25], $0x800  }
0x6c: {  	[sflag:s25] =	ssyncset.done $0x0  }
0x6d: {  	[sflag:s25] =	ssyncadd.s32 $0xFFFFF800  }
0x6e: {  	_ =	swait.ge [sflag:s23], $0x80  }
0x6f: {  	[sflag:s23] =	ssyncset.done $0x0  }
0x70: {  	[sflag:s23] =	ssyncadd.s32 $0xFFFFFF80  }
0x71: {  	_ =	swait.ge [sflag:s23], $0x80  }
0x72: {  	s28 =	sadd.s32 $0x1, s28;
	[sflag:s23] =	ssyncset.done $0x0  }
0x73: {  	p0 =	sne.s32 s28, s13;
	[sflag:s23] =	ssyncadd.s32 $0xFFFFFF80  }
.Ltmp2:
0x74: {  	[bflag:$0x0] =	sbarrier.arrive $0xFFFF;
	(pc) =	sbr.rel @p0 .LBB2_1-.Ltmp2, $4  }
0x75: {  	[hbm:s12], [sflag:s6] =	dma.local [spmem:s16], $0x4E4  }
0x76: {  	_ =	swait.ge [sflag:s17], $0x4E4  }
0x77: {  	[sflag:s17] =	ssyncset.done $0x0  }
0x78: {  	[sflag:s17] =	ssyncadd.s32 $0xFFFFFB1C  }
0x79: {  	_ =	sfence.sel $0x180000  }
0x7a: {  	[bflag:$0x0] =	sbarrier.arrive $0xFFFF  }
0x7b: {  	_ =	strace $0x9000004D  }
0x7c: {  	[bflag:$0x2] =	sbarrier.arrive $0xFFFF  }
0x7d: {  	p0 =	sne.s32 s0, $0x0;
	s0 =	rddreg [dreg:$0x4]  }
0x7e: {  	s0 =	sadd.s32 @!p0 $0x100000, s0  }
0x7f: {  	[sflag:s0] =	ssyncadd.tile.s32 @!p0 $0x1;
	_ =	shalt  }
.Lfunc_end2:
_tile_overlayer_lowered:
.L_overlay_start_2:
0x80: {  	(tag) =	ssettag $0x2  }
0x81: {  	s0 =	rddreg [dreg:$0x0];
	s2 =	stileid.u32  }
0x82: {  	s1 =	rddreg [dreg:$0x1];
	p0 =	sne.s32 s2, $0x0  }
0x83: {  	s3 =	rddreg [dreg:$0x2];
	[bflag:$0x3] =	sbarrier.arrive $0xFFFF;
	s2 =	simm.s32 @!p0 $0x1C05  }
0x84: {  	[timem:s3], [sflag:s2] =	dma.local @!p0 [hbm:s0], s1  }
0x85: {  	s0 =	simm.s32 @!p0 $0x5  }
0x86: {  	_ =	swait.ge @!p0 [sflag:s0], s1  }
0x87: {  	s1 =	ssub.s32 @!p0 $0x0, s1;
	[sflag:s0] =	ssyncset.done @!p0 $0x0  }
0x88: {  	[sflag:s0] =	ssyncadd.s32 @!p0 s1  }
0x89: {  	[bflag:$0x3] =	sbarrier.arrive $0xFFFF  }
0x8a: {  	_ =	shalt  }

// kernel: kernel.9.cloned.1.call-start
scs
__scs_entry_jumppad:
0x0: {  	(pc) =	sbr.rel $0x88, $3  }
0x1: {  	(tag) =	ssettag $0x0;
	lr =	simm.s32 $0x1  }
0x2: {  	[smem:$0x3F9A] =	sst lr;
	_ =	strace $0xD0000000  }
0x3: {  	_ = 	snop  }
0x4: {  	_ = 	snop  }
0x5: {  	_ = 	snop  }
0x6: {  	_ = 	snop  }
0x7: {  	_ = 	snop  }
__scs_overlays_trampoline_lowered:
0x8: {  	[smem:$0x3FA9] =	sst s0  }
0x9: {  	[smem:$0x3FAA] =	sst s1  }
0xa: {  	[smem:$0x3FAB] =	sst s2  }
0xb: {  	[smem:$0x3FAC] =	sst s3  }
0xc: {  	[smem:$0x3FAD] =	sst s4  }
0xd: {  	[smem:$0x3FAE] =	sst s5  }
0xe: {  	[smem:$0x3FAF] =	sst s6  }
0xf: {  	[smem:$0x3FB0] =	sst s7  }
0x10: {  	[smem:$0x3FB1] =	sst s8  }
0x11: {  	[smem:$0x3FB2] =	sst s9;
	s0 =	simm.s32 @!p0 $0x0  }
0x12: {  	s1 =	sld [smem:$0x3F98];
	s0 =	simm.s32 @p0 $0x1  }
0x13: {  	[smem:$0x3FB3] =	sst s0;
	s0 =	simm.s32 @!p1 $0x0  }
0x14: {  	s2 =	sld [smem:$0x3F97];
	s0 =	simm.s32 @p1 $0x1  }
0x15: {  	[smem:$0x3FB4] =	sst s0;
	s0 =	simm.s32 @!p2 $0x0  }
0x16: {  	s3 =	sld [smem:$0x3FDB];
	s0 =	simm.s32 @p2 $0x1  }
0x17: {  	s4 =	simm.s32 $0x1BF5;
	[smem:$0x3FB6] =	sst s0  }
0x18: {  	s0 =	sld [smem:$0x3F99];
	_ =	swait.ge [sflag:s4], $0x0  }
0x19: {  	s7 =	sld [smem:$0x3F9A]  }
0x1a: {  	s8 =	sadd.s32 $0xFFFFE003, lr  }
0x1b: {  	s9 =	sadd.s32 $0xFFFFFEF7, lr;
	s5 =	simm.s32 $0xFFFFFFFF;
	p2 =	slt.u32 s8, $0xFFFFF086  }
0x1c: {  	p1 =	slt.u32 s9, $0xF7A;
	s5 =	simm.s32 @!p2 $0x0  }
0x1d: {  	s5 =	simm.s32 @p1 $0x1;
	p0 =	seq.s32 s7, s2  }
0x1e: {  	s7 =	smul.u32 @!p0 $0xF7A, s2;
	p2 =	seq.s32 @!p0 s5, $0x0  }
0x1f: {  	s9 =	smul.u32 $0xF7A, s1;
	s8 =	simm.s32 @!p0 $0x1BF5;
	p2 =	por !p2, p0  }
0x20: {  	[sflag:s8] =	ssyncset.s32 @!p0 $0xFFFFF086;
	s6 =	sadd.s32 @!p0 s3, s7;
	s7 =	simm.s32 @!p0 $0x108  }
0x21: {  	s3 =	sadd.s32 s3, s9;
	s6 =	sadd.s32 @!p0 $0x88, s6;
	s7 =	simm.s32 @p2 $0x1082  }
0x22: {  	[simem:s7], [sflag:s8] =	dma.local @!p0 [hbm:s6], $0xF7A  }
0x23: {  	s9 =	sor.u32 $0xD0000000, s2;
	s6 =	simm.s32 $0x108;
	_ =	swait.ge @!p0 [sflag:s8], $0x0  }
0x24: {  	s3 =	sadd.s32 $0x88, s3;
	s6 =	simm.s32 @!p1 $0x1082;
	[sflag:s4] =	ssyncset.s32 $0xFFFFF086  }
0x25: {  	[simem:s6], [sflag:s4] =	dma.local [hbm:s3], $0xF7A  }
0x26: {  	[smem:$0x3F9A] =	sst s1;
	(tag) =	ssettag s2;
	_ =	strace s9  }
0x27: {  	s1 =	sld [smem:$0x3FAA]  }
0x28: {  	s2 =	sld [smem:$0x3FAB]  }
0x29: {  	s4 =	sld [smem:$0x3FAD]  }
0x2a: {  	p0 =	seq.s32 s5, $0x0;
	s5 =	sld [smem:$0x3FAE]  }
0x2b: {  	s6 =	sld [smem:$0x3FAF]  }
0x2c: {  	s7 =	sld [smem:$0x3FB0]  }
0x2d: {  	s3 =	simm.s32 $0x108;
	s8 =	sld [smem:$0x3FB1]  }
0x2e: {  	s3 =	simm.s32 @!p0 $0x1082;
	s9 =	sld [smem:$0x3FB2]  }
0x2f: {  	lr =	sadd.s32 s0, s3;
	s0 =	sld [smem:$0x3FA9]  }
0x30: {  	s3 =	sld [smem:$0x3FAC]  }
0x31: {  	[smem:$0x3FB5] =	sst s10  }
0x32: {  	s10 =	sld [smem:$0x3FB3];
	_ =	sdelay $0x3  }
0x33: {  	p0 =	seq.s32 s10, $0x1;
	s10 =	sld [smem:$0x3FB5];
	_ =	sdelay $0x3  }
0x34: {  	[smem:$0x3FB5] =	sst s10  }
0x35: {  	s10 =	sld [smem:$0x3FB4];
	_ =	sdelay $0x3  }
0x36: {  	p1 =	seq.s32 s10, $0x1;
	s10 =	sld [smem:$0x3FB5];
	_ =	sdelay $0x3  }
0x37: {  	[smem:$0x3FB5] =	sst s10  }
0x38: {  	s10 =	sld [smem:$0x3FB6]  }
0x39: {  	_ = 	snop;
	(pc) =	sbr.ind lr, $3  }
0x3a: {  	_ = 	snop  }
0x3b: {  	_ = 	snop  }
0x3c: {  	p2 =	seq.s32 s10, $0x1;
	s10 =	sld [smem:$0x3FB5]  }
0x3d: {  	_ =	shalt  }
0x3e: {  	_ =	shalt  }
0x3f: {  	_ =	shalt  }
0x40: {  	_ =	shalt  }
0x41: {  	_ =	shalt  }
0x42: {  	_ =	shalt  }
0x43: {  	_ =	shalt  }
0x44: {  	_ =	shalt  }
0x45: {  	_ =	shalt  }
0x46: {  	_ =	shalt  }
0x47: {  	_ =	shalt  }
0x48: {  	_ =	shalt  }
0x49: {  	_ =	shalt  }
0x4a: {  	_ =	shalt  }
0x4b: {  	_ =	shalt  }
0x4c: {  	_ =	shalt  }
0x4d: {  	_ =	shalt  }
0x4e: {  	_ =	shalt  }
0x4f: {  	_ =	shalt  }
0x50: {  	_ =	shalt  }
0x51: {  	_ =	shalt  }
0x52: {  	_ =	shalt  }
0x53: {  	_ =	shalt  }
0x54: {  	_ =	shalt  }
0x55: {  	_ =	shalt  }
0x56: {  	_ =	shalt  }
0x57: {  	_ =	shalt  }
0x58: {  	_ =	shalt  }
0x59: {  	_ =	shalt  }
0x5a: {  	_ =	shalt  }
0x5b: {  	_ =	shalt  }
0x5c: {  	_ =	shalt  }
0x5d: {  	_ =	shalt  }
0x5e: {  	_ =	shalt  }
0x5f: {  	_ =	shalt  }
0x60: {  	_ =	shalt  }
0x61: {  	_ =	shalt  }
0x62: {  	_ =	shalt  }
0x63: {  	_ =	shalt  }
0x64: {  	_ =	shalt  }
0x65: {  	_ =	shalt  }
0x66: {  	_ =	shalt  }
0x67: {  	_ =	shalt  }
0x68: {  	_ =	shalt  }
0x69: {  	_ =	shalt  }
0x6a: {  	_ =	shalt  }
0x6b: {  	_ =	shalt  }
0x6c: {  	_ =	shalt  }
0x6d: {  	_ =	shalt  }
0x6e: {  	_ =	shalt  }
0x6f: {  	_ =	shalt  }
0x70: {  	_ =	shalt  }
0x71: {  	_ =	shalt  }
0x72: {  	_ =	shalt  }
0x73: {  	_ =	shalt  }
0x74: {  	_ =	shalt  }
0x75: {  	_ =	shalt  }
0x76: {  	_ =	shalt  }
0x77: {  	_ =	shalt  }
0x78: {  	_ =	shalt  }
0x79: {  	_ =	shalt  }
0x7a: {  	_ =	shalt  }
0x7b: {  	_ =	shalt  }
0x7c: {  	_ =	shalt  }
0x7d: {  	_ =	shalt  }
0x7e: {  	_ =	shalt  }
0x7f: {  	_ =	shalt  }
0x80: {  	_ =	shalt  }
0x81: {  	_ =	shalt  }
0x82: {  	_ =	shalt  }
0x83: {  	_ =	shalt  }
0x84: {  	_ =	shalt  }
0x85: {  	_ =	shalt  }
0x86: {  	_ =	shalt  }
0x87: {  	_ =	shalt  }
.Lfunc_end0:
.L_simem_size_0:
called_computation_lowered:
.L_overlay_start_0:
0x88: {  	s2 =	sld [smem:$0x3FD9]  }
0x89: {  	s3 =	sld [smem:$0x3FFE];
	_ =	sdelay $0x1  }
0x8a: {  	s1 =	srdreg.scid  }
0x8b: {  	s0 =	sand.u32 $0x1, s1  }
0x8c: {  	s16 =	sshll.u32 s0, $0xA;
	s2 =	sadd.s32 s3, s2  }
0x8d: {  	s2 =	sadd.s32 s2, s16  }
0x8e: {  	[smem:$0x3FC1] =	sst s2  }
0x8f: {  	_ = 	snop  }
0x90: {  	(tm) =	ssettm $0x1  }
0x91: {  	s17 =	sld [smem:$0x3FFB];
	_ =	sdelay $0x3  }
0x92: {  	_ =	strace s17  }
0x93: {  	s2 =	sld [smem:$0x3FFC];
	_ =	sdelay $0x3  }
0x94: {  	_ =	strace s2  }
0x95: {  	s2 =	sld [smem:$0x3FFD];
	_ =	sdelay $0x3  }
0x96: {  	_ =	strace s2  }
0x97: {  	_ =	strace $0x8FFFFFFF  }
0x98: {  	s18 =	sld [smem:$0x3FDB];
	_ =	sdelay $0x1  }
0x99: {  	s19 =	simm.s32 $_scs_section_size  }
0x9a: {  	s4 =	simm.s32 $_size__tile_overlayer_lowered;
	s5 =	simm.s32 $_tile_overlayer_lowered  }
0x9b: {  	s22 =	simm.s32 $0x1BFF;
	s21 =	sshll.u32 s5, $0x1;
	s2 =	sadd.s32 s19, s18  }
0x9c: {  	s6 =	simm.s32 $0x0;
	s20 =	sshll.u32 s4, $0x1;
	s4 =	sadd.s32 s21, s2  }
0x9d: {  	[timem:s6], [sflag:s22] =	dma.local [hbm:s4], s20  }
0x9e: {  	_ =	swait.ge [sflag:s22], s20  }
0x9f: {  	s3 =	ssub.s32 $0x0, s20;
	[sflag:s22] =	ssyncset.done $0x0  }
0xa0: {  	[sflag:s22] =	ssyncadd.s32 s3;
	_ =	sdelay $0x1  }
0xa1: {  	s23 =	simm.s32 $0x1B8B  }
0xa2: {  	_ =	swait.ge [sflag:s23], $0x1  }
0xa3: {  	[sflag:s23] =	ssyncset.done $0x0  }
0xa4: {  	s25 =	simm.s32 $0x1B8E;
	s24 =	sld [smem:$0x3FFE];
	[sflag:s23] =	ssyncadd.s32 $0xFFFFFFFF  }
0xa5: {  	s26 =	simm.s32 $execute0_lowered;
	[smem:$0x3FD2] =	sst s25  }
0xa6: {  	s4 =	sshll.u32 s26, $0x1;
	_ =	strace $0x80000046;
	[dreg:$0x1] =	wrdreg $0xFFFFFFFF  }
0xa7: {  	s28 =	simm.s32 $_size_execute0_lowered;
	s2 =	sadd.s32 s2, s4;
	[dreg:$0x0] =	wrdreg $0x0  }
0xa8: {  	s4 =	sshll.u32 s28, $0x1;
	[dreg:$0x2] =	wrdreg s2  }
0xa9: {  	[dreg:$0x3] =	wrdreg s4  }
0xaa: {  	[dreg:$0x4] =	wrdreg $0xC0  }
0xab: {  	_ =	task [dreg:s6], $0x5FFFF  }
0xac: {  	[dreg:$0x1] =	wrdreg $0xFFFFFFFF  }
0xad: {  	[dreg:$0x0] =	wrdreg $0x60  }
0xae: {  	[dreg:$0x2] =	wrdreg s24  }
0xaf: {  	[dreg:$0x3] =	wrdreg $0x9  }
0xb0: {  	_ =	task.clear_ibuf [dreg:s6], $0x4FFFF;
	_ =	strace $0x90000046  }
0xb1: {  	s29 =	simm.s32 $0x9;
	_ =	strace $0x80000048  }
0xb2: {  	_ =	swait.ge [sflag:s29], $0x1  }
0xb3: {  	[sflag:s29] =	ssyncadd.s32 $0xFFFFFFFF  }
0xb4: {  	_ =	strace $0x90000048  }
0xb5: {  	_ =	sfence  }
0xb6: {  	s30 =	sld [smem:$0x0];
	_ =	sdelay $0x2  }
0xb7: {  	s31 =	sshll.u32 s1, $0xD;
	s1 =	sshrl.u32 s1, $0x2  }
0xb8: {  	s3 =	sand.u32 $0x4000, s31;
	s1 =	sadd.s32 s1, s30  }
0xb9: {  	s0 =	sor.u32 s3, s0;
	s1 =	sshll.u32 s1, $0x11  }
0xba: {  	s0 =	sor.u32 s1, s0  }
0xbb: {  	s0 =	sadd.s32 $0x8F2B, s0  }
0xbc: {  	[sflag:s0] =	ssyncadd.remote.s32 $0x1  }
0xbd: {  	_ =	sfence.sel $0xFFFF  }
0xbe: {  	[dreg:$0x0] =	wrdreg $0xFFFFFFFF;
	(pc) =	sbr.abs _section_cstart, $3  }
0xbf: {  	[dreg:$0x1] =	wrdreg $0xFFFFFFFF  }
0xc0: {  	_ =	task.clear_ibuf [dreg:s6], $0x2FFFF;
	_ =	strace $0x9FFFFFFF  }
0xc1: {  	(tm) =	ssettm $0x7FFFFFFF  }
tec
execute0_lowered:
.L_overlay_start_1:
0x0: {  	(tag) =	ssettag $0x1  }
0x1: {  	s0 =	srdreg.scid  }
0x2: {  	s5 =	rddreg [dreg:$0x0];
	s3 =	sand.u32 $0x1, s0  }
0x3: {  	s2 =	simm.s32 $0x0;
	s0 =	stileid.u32;
	s1 =	sshll.u32 s3, $0x4  }
0x4: {  	s8 =	simm.s32 $0x80;
	s9 =	simm.s32 $0x400;
	s4 =	sor.u32 s0, s1  }
0x5: {  	s10 =	simm.s32 $0x0;
	[smem:$0x7FF] =	sst s2;
	s1 =	sshrl.u32 s4, $0x3  }
0x6: {  	s7 =	sshll.u32 s0, $0x7;
	s3 =	ssub.s32 $0x2, s3;
	s6 =	smul.u32 $0x13C00, s1  }
0x7: {  	s7 =	sand.u32 $0x380, s7;
	s31 =	sshrl.u32 s3, $0x1;
	s4 =	smul.u32 $0x580, s4  }
0x8: {  	s1 =	rddreg [dreg:$0x1];
	_ =	strace $0x80000047;
	s6 =	sor.u32 s7, s6  }
0x9: {  	s4 =	sadd.s32 s4, s5;
	s7 =	simm.s32 $0x2C00;
	s6 =	sshrl.u32 s6, $0x3  }
0xa: {  	s5 =	sadd.s32 s6, s5;
	s6 =	ssub.s32 s3, s31;
	s3 =	sadd.s32 $0x2600, s4  }
0xb: {  	v0 =	vimm.f32 $0.0e+00;
	v1 =	vimm.f32 $1.000000000e+00;
	s4 =	sadd.s32 $0xD600, s5;
	s5 =	smax.u32 s6, $0x1;
	s6 =	simm.s32 $0x1  }
.LBB2_1:
0xc: {  	[tilespmem:s2], [sflag:$0x1] =	stream.linear.gather [hbm4b:s3+s2], $0x2C00, $0x38;
	[tilespmem:$0x5380] =	vst v63  }
0xd: {  	_ =	swait.ge [sflag:s6], $0x2C00  }
0xe: {  	[sflag:s6] =	ssyncset.done $0x0  }
0xf: {  	s11 =	simm.s32 $0x0;
	[sflag:s6] =	ssyncadd.s32 $0xFFFFD400  }
.LBB2_2:
0x10: {  	p0 =	sne.s32 s11, $0x9C40  }
.Ltmp0:
0x11: {  	_ = 	snop;
	(pc) =	sbr.rel @p0 .LBB2_2-.Ltmp0, $3  }
0x12: {  	_ =	sdelay $0x1  }
0x13: {  	s12 =	sshra.s32 s11, $0x2  }
0x14: {  	s11 =	sadd.s32 $0x40, s11;
	[tilespmem:s12+$0x2C00] =	vst v0  }
0x15: {  	s11 =	simm.s32 $0x0  }
.LBB2_4:
0x16: {  	s12 =	sshra.s32 s11, $0x2  }
0x17: {  	v2 =	vld [tilespmem:s12+$0x0];
	_ =	sdelay $0x7  }
0x18: {  	[tilespmem:v2+s7+$0x0] =	vst.idx.add.f32.msk $0xffff, v1  }
0x19: {  	v2 =	vld [tilespmem:s12+$0x10];
	_ =	sdelay $0x7  }
0x1a: {  	[tilespmem:v2+s7+$0x0] =	vst.idx.add.f32.msk $0xffff, v1  }
0x1b: {  	v2 =	vld [tilespmem:s12+$0x20];
	_ =	sdelay $0x7  }
0x1c: {  	[tilespmem:v2+s7+$0x0] =	vst.idx.add.f32.msk $0xffff, v1  }
0x1d: {  	v2 =	vld [tilespmem:s12+$0x30];
	_ =	sdelay $0x7  }
0x1e: {  	[tilespmem:v2+s7+$0x0] =	vst.idx.add.f32.msk $0xffff, v1  }
0x1f: {  	v2 =	vld [tilespmem:s12+$0x40];
	_ =	sdelay $0x7  }
0x20: {  	[tilespmem:v2+s7+$0x0] =	vst.idx.add.f32.msk $0xffff, v1  }
0x21: {  	v2 =	vld [tilespmem:s12+$0x50];
	_ =	sdelay $0x7  }
0x22: {  	[tilespmem:v2+s7+$0x0] =	vst.idx.add.f32.msk $0xffff, v1  }
0x23: {  	v2 =	vld [tilespmem:s12+$0x60];
	_ =	sdelay $0x7  }
0x24: {  	[tilespmem:v2+s7+$0x0] =	vst.idx.add.f32.msk $0xffff, v1  }
0x25: {  	v2 =	vld [tilespmem:s12+$0x70];
	_ =	sdelay $0x2  }
0x26: {  	p0 =	sne.s32 s11, $0x9E00  }
.Ltmp1:
0x27: {  	_ = 	snop;
	(pc) =	sbr.rel @p0 .LBB2_4-.Ltmp1, $2  }
0x28: {  	_ =	sdelay $0x2  }
0x29: {  	s11 =	sadd.s32 $0x200, s11;
	[tilespmem:v2+s7+$0x0] =	vst.idx.add.f32.msk $0xffff, v1  }
0x2a: {  	s10 =	sadd.s32 $0x1, s10  }
0x2b: {  	p0 =	sne.s32 s10, s5  }
.Ltmp2:
0x2c: {  	_ = 	snop;
	(pc) =	sbr.rel @p0 .LBB2_1-.Ltmp2, $4  }
0x2d: {  	[hbm4b:s4+s8] =	stream.strided.scatter [tilespmem:s7], [sflag:$0x1], $0x2780, s9, s8, $0x38;
	[tilespmem:$0x5380] =	vst v63  }
0x2e: {  	_ =	swait.ge [sflag:s6], $0x2780  }
0x2f: {  	[sflag:s6] =	ssyncset.done $0x0  }
0x30: {  	[sflag:s6] =	ssyncadd.s32 $0xFFFFD880  }
0x31: {  	_ =	sfence.sel $0x180000  }
0x32: {  	[bflag:$0x0] =	sbarrier.arrive $0xFFFF  }
0x33: {  	p0 =	sne.s32 s0, $0x0;
	_ =	strace $0x90000047  }
0x34: {  	s0 =	sadd.s32 @!p0 $0x100000, s1;
	[bflag:$0x2] =	sbarrier.arrive $0xFFFF  }
0x35: {  	[sflag:s0] =	ssyncadd.tile.s32 @!p0 $0x1;
	_ =	shalt  }
.Lfunc_end2:
_tile_overlayer_lowered:
.L_overlay_start_2:
0x36: {  	(tag) =	ssettag $0x2  }
0x37: {  	s0 =	rddreg [dreg:$0x0];
	s2 =	stileid.u32  }
0x38: {  	s1 =	rddreg [dreg:$0x1];
	p0 =	sne.s32 s2, $0x0  }
0x39: {  	s3 =	rddreg [dreg:$0x2];
	[bflag:$0x3] =	sbarrier.arrive $0xFFFF;
	s2 =	simm.s32 @!p0 $0x1C01  }
0x3a: {  	[timem:s3], [sflag:s2] =	dma.local @!p0 [hbm:s0], s1  }
0x3b: {  	s0 =	simm.s32 @!p0 $0x1  }
0x3c: {  	_ =	swait.ge @!p0 [sflag:s0], s1  }
0x3d: {  	s1 =	ssub.s32 @!p0 $0x0, s1;
	[sflag:s0] =	ssyncset.done @!p0 $0x0  }
0x3e: {  	[sflag:s0] =	ssyncadd.s32 @!p0 s1  }
0x3f: {  	[bflag:$0x3] =	sbarrier.arrive $0xFFFF  }
0x40: {  	_ =	shalt  }

</sc_bundles>
